<compile_context>
chip_gen: v7x
topology: tpu7x:2x2x1
jax: 0.10.2.dev20260603
libtpu: 0.0.44.dev20260713+nightly
codegen_flags: <defaults>
</compile_context>

<pallas_src>
import functools

import jax
import jax.numpy as jnp
from jax import lax
from jax.experimental import pallas as pl
from jax.experimental.pallas import tpu as pltpu
from jax.experimental.pallas import tpu_sc as plsc

_BATCH = 16384
_HIST = 20
_D = 64
_B = _BATCH * _HIST
_NC = 2
_NS = 16
_NW = _NC * _NS
_CHUNK = 128
_PERW = _B // _NW
_CH = _PERW // _CHUNK
_K = 4
_SUPER = _K * _CHUNK
_S = _CH // _K
_NBUF = 2


def _make_gather():
    mesh = plsc.VectorSubcoreMesh(core_axis_name="c", subcore_axis_name="s")

    @functools.partial(
        pl.kernel,
        mesh=mesh,
        compiler_params=pltpu.CompilerParams(use_tc_tiling_on_sc=False),
        out_type=jax.ShapeDtypeStruct((_B, _D), jnp.float32),
        scratch_types=[
            pltpu.VMEM((_CH, _CHUNK), jnp.int32),
            pltpu.VMEM((_NBUF, _SUPER, _D), jnp.float32),
            pltpu.SemaphoreType.DMA,
            pltpu.SemaphoreType.DMA,
            pltpu.SemaphoreType.DMA,
            pltpu.SemaphoreType.DMA,
        ],
    )
    def gather(idx_hbm, table_hbm, out_hbm, idx_v, rows, gs0, gs1, ss0, ss1):
        gsem = (gs0, gs1)
        ssem = (ss0, ss1)
        wid = lax.axis_index("s") * _NC + lax.axis_index("c")
        base = wid * _PERW
        pltpu.sync_copy(idx_hbm.at[wid], idx_v)

        def fire(s, b):
            for j in range(_K):
                pltpu.async_copy(
                    table_hbm.at[idx_v.at[s * _K + j]],
                    rows.at[b, pl.ds(j * _CHUNK, _CHUNK)],
                    gsem[b],
                )

        def wait_gather(b):
            pltpu.make_async_copy(
                table_hbm.at[pl.ds(0, _SUPER)], rows.at[b], gsem[b]
            ).wait()

        def store(s, b):
            pltpu.async_copy(
                rows.at[b], out_hbm.at[pl.ds(base + s * _SUPER, _SUPER)], ssem[b]
            )

        def wait_store(b):
            pltpu.make_async_copy(
                table_hbm.at[pl.ds(0, _SUPER)], rows.at[b], ssem[b]
            ).wait()

        for b in range(_NBUF):
            fire(b, b)

        def body(i, carry):
            s0 = i * _NBUF
            for b in range(_NBUF):
                s = s0 + b
                wait_gather(b)
                store(s, b)
                wait_store(b)
                fire(s + _NBUF, b)
            return carry

        lax.fori_loop(0, (_S - _NBUF) // _NBUF, body, 0)

        for b in range(_NBUF):
            s = _S - _NBUF + b
            wait_gather(b)
            store(s, b)
            wait_store(b)

    return gather


_gather = _make_gather()


def kernel(x, table):
    idx = x.reshape(_NW, _CH, _CHUNK).astype(jnp.int32)
    out = _gather(idx, table)
    return out.reshape(_BATCH, _HIST, _D)

# --- scband reference (transcript-rebuilt; emitter-appended) ---
"""Pipeline reference for scband-word-embedding-32890859553468 (READ-ONLY COPY).

The authoritative reference and input builder live on the scoring server;
editing this copy changes nothing except your own understanding.
"""

import jax, jax.numpy as jnp
import numpy as np

NTOKEN = 1000000
EMB_DIM = 64
BATCH = 16384
HIST = 20


def setup_inputs(seed: int = 0) -> dict:
    key = jax.random.key(seed)
    k1, k2 = jax.random.split(key)
    x = jax.random.randint(k1, (BATCH, HIST), 0, NTOKEN)
    # Embedding table has ntoken + 1 rows (last row is padding_idx)
    table = jax.random.normal(k2, (NTOKEN + 1, EMB_DIM), dtype=jnp.float32)
    return {"x": x, "table": table}


def reference(x, table):
    # emb = self.emb(x); dropout disabled (use_dropout=False)
    emb = jnp.take(table, x, axis=0)
    return emb

if __name__ == "__main__":
    import jax
    _d = setup_inputs()
    print(jax.jit(kernel)(*tuple(_d.values())))

</pallas_src>

<mosaic_0001>
#map = affine_map<(d0, d1) -> (0, 0, 0)>
#map1 = affine_map<(d0, d1) -> (0, 0)>
module attributes {stable_mosaic.version = 14 : i64} {
  func.func @gather(%arg0: i32, %arg1: i32, %arg2: memref<32x80x128xi32, #tpu.memory_space<hbm>>, %arg3: memref<1000001x64xf32, #tpu.memory_space<hbm>>, %arg4: memref<327680x64xf32, #tpu.memory_space<hbm>>, %arg5: memref<80x128xi32, #tpu.memory_space<vmem>>, %arg6: memref<2x512x64xf32, #tpu.memory_space<vmem>>, %arg7: memref<!tpu.dma_semaphore, #tpu.memory_space<semaphore_mem>>, %arg8: memref<!tpu.dma_semaphore, #tpu.memory_space<semaphore_mem>>, %arg9: memref<!tpu.dma_semaphore, #tpu.memory_space<semaphore_mem>>, %arg10: memref<!tpu.dma_semaphore, #tpu.memory_space<semaphore_mem>>) attributes {dimension_semantics = [#tpu.dimension_semantics<core_parallel>, #tpu.dimension_semantics<subcore_parallel>], iteration_bounds = array<i64: 2, 16>, scalar_prefetch = 0 : i64, scratch_operands = 6 : i64, tpu.core_type = #tpu.core_type<sc_vector_subcore>, window_params = [{transform_indices = #map}, {transform_indices = #map1}, {transform_indices = #map1}]} {
    %mul3A = arith.constant 2 : i32
    %mul3A_0 = arith.muli %arg1, %mul3A : i32
    %add3A = arith.addi %mul3A_0, %arg0 : i32
    %mul3A_1 = arith.constant 10240 : i32
    %mul3A_2 = arith.muli %add3A, %mul3A_1 : i32
    "tpu.region"() ({
      %run_scoped3A = tpu.sem_alloc : memref<!tpu.dma_semaphore, #tpu.memory_space<semaphore_mem>>
      %dma_start3A_192 = arith.constant 0 : i32
      %dma_start3A_193 = arith.constant 0 : i32
      %dma_start3A_194 = tpu.memref_slice %arg2[%add3A, %dma_start3A_192, %dma_start3A_193] : memref<32x80x128xi32, #tpu.memory_space<hbm>> -> memref<1x80x128xi32, #tpu.memory_space<hbm>>
      %dma_start3A_195 = tpu.memref_squeeze %dma_start3A_194 : memref<1x80x128xi32, #tpu.memory_space<hbm>> -> memref<80x128xi32, #tpu.memory_space<hbm>>
      %dma_start3A_196 = arith.constant 0 : i32
      %dma_start3A_197 = arith.constant 0 : i32
      %dma_start3A_198 = tpu.memref_slice %arg2[%add3A, %dma_start3A_196, %dma_start3A_197] : memref<32x80x128xi32, #tpu.memory_space<hbm>> -> memref<1x80x128xi32, #tpu.memory_space<hbm>>
      %dma_start3A_199 = tpu.memref_squeeze %dma_start3A_198 : memref<1x80x128xi32, #tpu.memory_space<hbm>> -> memref<80x128xi32, #tpu.memory_space<hbm>>
      tpu.enqueue_dma source(%dma_start3A_199 : memref<80x128xi32, #tpu.memory_space<hbm>>) target(%arg5 : memref<80x128xi32, #tpu.memory_space<vmem>>) target_semaphore(%run_scoped3A : memref<!tpu.dma_semaphore, #tpu.memory_space<semaphore_mem>>)
      %dma_wait3A_200 = arith.constant 0 : i32
      %dma_wait3A_201 = arith.constant 0 : i32
      %dma_wait3A_202 = tpu.memref_slice %arg2[%add3A, %dma_wait3A_200, %dma_wait3A_201] : memref<32x80x128xi32, #tpu.memory_space<hbm>> -> memref<1x80x128xi32, #tpu.memory_space<hbm>>
      %dma_wait3A_203 = tpu.memref_squeeze %dma_wait3A_202 : memref<1x80x128xi32, #tpu.memory_space<hbm>> -> memref<80x128xi32, #tpu.memory_space<hbm>>
      %dma_wait3A_204 = arith.constant 0 : i32
      %dma_wait3A_205 = arith.constant 0 : i32
      %dma_wait3A_206 = tpu.memref_slice %arg2[%add3A, %dma_wait3A_204, %dma_wait3A_205] : memref<32x80x128xi32, #tpu.memory_space<hbm>> -> memref<1x80x128xi32, #tpu.memory_space<hbm>>
      %dma_wait3A_207 = tpu.memref_squeeze %dma_wait3A_206 : memref<1x80x128xi32, #tpu.memory_space<hbm>> -> memref<80x128xi32, #tpu.memory_space<hbm>>
      tpu.wait_dma2 semaphore(%run_scoped3A : memref<!tpu.dma_semaphore, #tpu.memory_space<semaphore_mem>>) src(%dma_wait3A_207 : memref<80x128xi32, #tpu.memory_space<hbm>>) dst(%arg5 : memref<80x128xi32, #tpu.memory_space<vmem>>)
      tpu.yield
    }) : () -> ()
    %dma_start3A = arith.constant 0 : i32
    %dma_start3A_3 = arith.constant 0 : i32
    %dma_start3A_4 = arith.constant 0 : i32
    %dma_start3A_5 = arith.constant 0 : i32
    %dma_start3A_6 = tpu.memref_slice %arg6[%dma_start3A_3, %dma_start3A_4, %dma_start3A_5] : memref<2x512x64xf32, #tpu.memory_space<vmem>> -> memref<1x128x64xf32, #tpu.memory_space<vmem>>
    %dma_start3A_7 = tpu.memref_squeeze %dma_start3A_6 : memref<1x128x64xf32, #tpu.memory_space<vmem>> -> memref<128x64xf32, #tpu.memory_space<vmem>>
    %dma_start3A_8 = arith.constant 0 : i32
    %dma_start3A_9 = tpu.memref_slice %arg5[%dma_start3A, %dma_start3A_8] : memref<80x128xi32, #tpu.memory_space<vmem>> -> memref<1x128xi32, #tpu.memory_space<vmem>>
    %dma_start3A_10 = tpu.memref_squeeze %dma_start3A_9 : memref<1x128xi32, #tpu.memory_space<vmem>> -> memref<128xi32, #tpu.memory_space<vmem>>
    %dma_start3A_11 = arith.constant 0 : i32
    %dma_start3A_12 = arith.constant 0 : i32
    %dma_start3A_13 = tpu.memref_slice %arg3[%dma_start3A_11, %dma_start3A_12] : memref<1000001x64xf32, #tpu.memory_space<hbm>> -> memref<1000001x64xf32, #tpu.memory_space<hbm>>
    tpu.enqueue_indirect_dma source(%dma_start3A_13 : memref<1000001x64xf32, #tpu.memory_space<hbm>>) target(%dma_start3A_7 : memref<128x64xf32, #tpu.memory_space<vmem>>) offsets(%dma_start3A_10 : memref<128xi32, #tpu.memory_space<vmem>>) semaphore(%arg7 : memref<!tpu.dma_semaphore, #tpu.memory_space<semaphore_mem>>)
    %dma_start3A_14 = arith.constant 1 : i32
    %dma_start3A_15 = arith.constant 0 : i32
    %dma_start3A_16 = arith.constant 128 : i32
    %dma_start3A_17 = arith.constant 0 : i32
    %dma_start3A_18 = tpu.memref_slice %arg6[%dma_start3A_15, %dma_start3A_16, %dma_start3A_17] : memref<2x512x64xf32, #tpu.memory_space<vmem>> -> memref<1x128x64xf32, #tpu.memory_space<vmem>>
    %dma_start3A_19 = tpu.memref_squeeze %dma_start3A_18 : memref<1x128x64xf32, #tpu.memory_space<vmem>> -> memref<128x64xf32, #tpu.memory_space<vmem>>
    %dma_start3A_20 = arith.constant 0 : i32
    %dma_start3A_21 = tpu.memref_slice %arg5[%dma_start3A_14, %dma_start3A_20] : memref<80x128xi32, #tpu.memory_space<vmem>> -> memref<1x128xi32, #tpu.memory_space<vmem>>
    %dma_start3A_22 = tpu.memref_squeeze %dma_start3A_21 : memref<1x128xi32, #tpu.memory_space<vmem>> -> memref<128xi32, #tpu.memory_space<vmem>>
    %dma_start3A_23 = arith.constant 0 : i32
    %dma_start3A_24 = arith.constant 0 : i32
    %dma_start3A_25 = tpu.memref_slice %arg3[%dma_start3A_23, %dma_start3A_24] : memref<1000001x64xf32, #tpu.memory_space<hbm>> -> memref<1000001x64xf32, #tpu.memory_space<hbm>>
    tpu.enqueue_indirect_dma source(%dma_start3A_25 : memref<1000001x64xf32, #tpu.memory_space<hbm>>) target(%dma_start3A_19 : memref<128x64xf32, #tpu.memory_space<vmem>>) offsets(%dma_start3A_22 : memref<128xi32, #tpu.memory_space<vmem>>) semaphore(%arg7 : memref<!tpu.dma_semaphore, #tpu.memory_space<semaphore_mem>>)
    %dma_start3A_26 = arith.constant 2 : i32
    %dma_start3A_27 = arith.constant 0 : i32
    %dma_start3A_28 = arith.constant 256 : i32
    %dma_start3A_29 = arith.constant 0 : i32
    %dma_start3A_30 = tpu.memref_slice %arg6[%dma_start3A_27, %dma_start3A_28, %dma_start3A_29] : memref<2x512x64xf32, #tpu.memory_space<vmem>> -> memref<1x128x64xf32, #tpu.memory_space<vmem>>
    %dma_start3A_31 = tpu.memref_squeeze %dma_start3A_30 : memref<1x128x64xf32, #tpu.memory_space<vmem>> -> memref<128x64xf32, #tpu.memory_space<vmem>>
    %dma_start3A_32 = arith.constant 0 : i32
    %dma_start3A_33 = tpu.memref_slice %arg5[%dma_start3A_26, %dma_start3A_32] : memref<80x128xi32, #tpu.memory_space<vmem>> -> memref<1x128xi32, #tpu.memory_space<vmem>>
    %dma_start3A_34 = tpu.memref_squeeze %dma_start3A_33 : memref<1x128xi32, #tpu.memory_space<vmem>> -> memref<128xi32, #tpu.memory_space<vmem>>
    %dma_start3A_35 = arith.constant 0 : i32
    %dma_start3A_36 = arith.constant 0 : i32
    %dma_start3A_37 = tpu.memref_slice %arg3[%dma_start3A_35, %dma_start3A_36] : memref<1000001x64xf32, #tpu.memory_space<hbm>> -> memref<1000001x64xf32, #tpu.memory_space<hbm>>
    tpu.enqueue_indirect_dma source(%dma_start3A_37 : memref<1000001x64xf32, #tpu.memory_space<hbm>>) target(%dma_start3A_31 : memref<128x64xf32, #tpu.memory_space<vmem>>) offsets(%dma_start3A_34 : memref<128xi32, #tpu.memory_space<vmem>>) semaphore(%arg7 : memref<!tpu.dma_semaphore, #tpu.memory_space<semaphore_mem>>)
    %dma_start3A_38 = arith.constant 3 : i32
    %dma_start3A_39 = arith.constant 0 : i32
    %dma_start3A_40 = arith.constant 384 : i32
    %dma_start3A_41 = arith.constant 0 : i32
    %dma_start3A_42 = tpu.memref_slice %arg6[%dma_start3A_39, %dma_start3A_40, %dma_start3A_41] : memref<2x512x64xf32, #tpu.memory_space<vmem>> -> memref<1x128x64xf32, #tpu.memory_space<vmem>>
    %dma_start3A_43 = tpu.memref_squeeze %dma_start3A_42 : memref<1x128x64xf32, #tpu.memory_space<vmem>> -> memref<128x64xf32, #tpu.memory_space<vmem>>
    %dma_start3A_44 = arith.constant 0 : i32
    %dma_start3A_45 = tpu.memref_slice %arg5[%dma_start3A_38, %dma_start3A_44] : memref<80x128xi32, #tpu.memory_space<vmem>> -> memref<1x128xi32, #tpu.memory_space<vmem>>
    %dma_start3A_46 = tpu.memref_squeeze %dma_start3A_45 : memref<1x128xi32, #tpu.memory_space<vmem>> -> memref<128xi32, #tpu.memory_space<vmem>>
    %dma_start3A_47 = arith.constant 0 : i32
    %dma_start3A_48 = arith.constant 0 : i32
    %dma_start3A_49 = tpu.memref_slice %arg3[%dma_start3A_47, %dma_start3A_48] : memref<1000001x64xf32, #tpu.memory_space<hbm>> -> memref<1000001x64xf32, #tpu.memory_space<hbm>>
    tpu.enqueue_indirect_dma source(%dma_start3A_49 : memref<1000001x64xf32, #tpu.memory_space<hbm>>) target(%dma_start3A_43 : memref<128x64xf32, #tpu.memory_space<vmem>>) offsets(%dma_start3A_46 : memref<128xi32, #tpu.memory_space<vmem>>) semaphore(%arg7 : memref<!tpu.dma_semaphore, #tpu.memory_space<semaphore_mem>>)
    %dma_start3A_50 = arith.constant 4 : i32
    %dma_start3A_51 = arith.constant 1 : i32
    %dma_start3A_52 = arith.constant 0 : i32
    %dma_start3A_53 = arith.constant 0 : i32
    %dma_start3A_54 = tpu.memref_slice %arg6[%dma_start3A_51, %dma_start3A_52, %dma_start3A_53] : memref<2x512x64xf32, #tpu.memory_space<vmem>> -> memref<1x128x64xf32, #tpu.memory_space<vmem>>
    %dma_start3A_55 = tpu.memref_squeeze %dma_start3A_54 : memref<1x128x64xf32, #tpu.memory_space<vmem>> -> memref<128x64xf32, #tpu.memory_space<vmem>>
    %dma_start3A_56 = arith.constant 0 : i32
    %dma_start3A_57 = tpu.memref_slice %arg5[%dma_start3A_50, %dma_start3A_56] : memref<80x128xi32, #tpu.memory_space<vmem>> -> memref<1x128xi32, #tpu.memory_space<vmem>>
    %dma_start3A_58 = tpu.memref_squeeze %dma_start3A_57 : memref<1x128xi32, #tpu.memory_space<vmem>> -> memref<128xi32, #tpu.memory_space<vmem>>
    %dma_start3A_59 = arith.constant 0 : i32
    %dma_start3A_60 = arith.constant 0 : i32
    %dma_start3A_61 = tpu.memref_slice %arg3[%dma_start3A_59, %dma_start3A_60] : memref<1000001x64xf32, #tpu.memory_space<hbm>> -> memref<1000001x64xf32, #tpu.memory_space<hbm>>
    tpu.enqueue_indirect_dma source(%dma_start3A_61 : memref<1000001x64xf32, #tpu.memory_space<hbm>>) target(%dma_start3A_55 : memref<128x64xf32, #tpu.memory_space<vmem>>) offsets(%dma_start3A_58 : memref<128xi32, #tpu.memory_space<vmem>>) semaphore(%arg8 : memref<!tpu.dma_semaphore, #tpu.memory_space<semaphore_mem>>)
    %dma_start3A_62 = arith.constant 5 : i32
    %dma_start3A_63 = arith.constant 1 : i32
    %dma_start3A_64 = arith.constant 128 : i32
    %dma_start3A_65 = arith.constant 0 : i32
    %dma_start3A_66 = tpu.memref_slice %arg6[%dma_start3A_63, %dma_start3A_64, %dma_start3A_65] : memref<2x512x64xf32, #tpu.memory_space<vmem>> -> memref<1x128x64xf32, #tpu.memory_space<vmem>>
    %dma_start3A_67 = tpu.memref_squeeze %dma_start3A_66 : memref<1x128x64xf32, #tpu.memory_space<vmem>> -> memref<128x64xf32, #tpu.memory_space<vmem>>
    %dma_start3A_68 = arith.constant 0 : i32
    %dma_start3A_69 = tpu.memref_slice %arg5[%dma_start3A_62, %dma_start3A_68] : memref<80x128xi32, #tpu.memory_space<vmem>> -> memref<1x128xi32, #tpu.memory_space<vmem>>
    %dma_start3A_70 = tpu.memref_squeeze %dma_start3A_69 : memref<1x128xi32, #tpu.memory_space<vmem>> -> memref<128xi32, #tpu.memory_space<vmem>>
    %dma_start3A_71 = arith.constant 0 : i32
    %dma_start3A_72 = arith.constant 0 : i32
    %dma_start3A_73 = tpu.memref_slice %arg3[%dma_start3A_71, %dma_start3A_72] : memref<1000001x64xf32, #tpu.memory_space<hbm>> -> memref<1000001x64xf32, #tpu.memory_space<hbm>>
    tpu.enqueue_indirect_dma source(%dma_start3A_73 : memref<1000001x64xf32, #tpu.memory_space<hbm>>) target(%dma_start3A_67 : memref<128x64xf32, #tpu.memory_space<vmem>>) offsets(%dma_start3A_70 : memref<128xi32, #tpu.memory_space<vmem>>) semaphore(%arg8 : memref<!tpu.dma_semaphore, #tpu.memory_space<semaphore_mem>>)
    %dma_start3A_74 = arith.constant 6 : i32
    %dma_start3A_75 = arith.constant 1 : i32
    %dma_start3A_76 = arith.constant 256 : i32
    %dma_start3A_77 = arith.constant 0 : i32
    %dma_start3A_78 = tpu.memref_slice %arg6[%dma_start3A_75, %dma_start3A_76, %dma_start3A_77] : memref<2x512x64xf32, #tpu.memory_space<vmem>> -> memref<1x128x64xf32, #tpu.memory_space<vmem>>
    %dma_start3A_79 = tpu.memref_squeeze %dma_start3A_78 : memref<1x128x64xf32, #tpu.memory_space<vmem>> -> memref<128x64xf32, #tpu.memory_space<vmem>>
    %dma_start3A_80 = arith.constant 0 : i32
    %dma_start3A_81 = tpu.memref_slice %arg5[%dma_start3A_74, %dma_start3A_80] : memref<80x128xi32, #tpu.memory_space<vmem>> -> memref<1x128xi32, #tpu.memory_space<vmem>>
    %dma_start3A_82 = tpu.memref_squeeze %dma_start3A_81 : memref<1x128xi32, #tpu.memory_space<vmem>> -> memref<128xi32, #tpu.memory_space<vmem>>
    %dma_start3A_83 = arith.constant 0 : i32
    %dma_start3A_84 = arith.constant 0 : i32
    %dma_start3A_85 = tpu.memref_slice %arg3[%dma_start3A_83, %dma_start3A_84] : memref<1000001x64xf32, #tpu.memory_space<hbm>> -> memref<1000001x64xf32, #tpu.memory_space<hbm>>
    tpu.enqueue_indirect_dma source(%dma_start3A_85 : memref<1000001x64xf32, #tpu.memory_space<hbm>>) target(%dma_start3A_79 : memref<128x64xf32, #tpu.memory_space<vmem>>) offsets(%dma_start3A_82 : memref<128xi32, #tpu.memory_space<vmem>>) semaphore(%arg8 : memref<!tpu.dma_semaphore, #tpu.memory_space<semaphore_mem>>)
    %dma_start3A_86 = arith.constant 7 : i32
    %dma_start3A_87 = arith.constant 1 : i32
    %dma_start3A_88 = arith.constant 384 : i32
    %dma_start3A_89 = arith.constant 0 : i32
    %dma_start3A_90 = tpu.memref_slice %arg6[%dma_start3A_87, %dma_start3A_88, %dma_start3A_89] : memref<2x512x64xf32, #tpu.memory_space<vmem>> -> memref<1x128x64xf32, #tpu.memory_space<vmem>>
    %dma_start3A_91 = tpu.memref_squeeze %dma_start3A_90 : memref<1x128x64xf32, #tpu.memory_space<vmem>> -> memref<128x64xf32, #tpu.memory_space<vmem>>
    %dma_start3A_92 = arith.constant 0 : i32
    %dma_start3A_93 = tpu.memref_slice %arg5[%dma_start3A_86, %dma_start3A_92] : memref<80x128xi32, #tpu.memory_space<vmem>> -> memref<1x128xi32, #tpu.memory_space<vmem>>
    %dma_start3A_94 = tpu.memref_squeeze %dma_start3A_93 : memref<1x128xi32, #tpu.memory_space<vmem>> -> memref<128xi32, #tpu.memory_space<vmem>>
    %dma_start3A_95 = arith.constant 0 : i32
    %dma_start3A_96 = arith.constant 0 : i32
    %dma_start3A_97 = tpu.memref_slice %arg3[%dma_start3A_95, %dma_start3A_96] : memref<1000001x64xf32, #tpu.memory_space<hbm>> -> memref<1000001x64xf32, #tpu.memory_space<hbm>>
    tpu.enqueue_indirect_dma source(%dma_start3A_97 : memref<1000001x64xf32, #tpu.memory_space<hbm>>) target(%dma_start3A_91 : memref<128x64xf32, #tpu.memory_space<vmem>>) offsets(%dma_start3A_94 : memref<128xi32, #tpu.memory_space<vmem>>) semaphore(%arg8 : memref<!tpu.dma_semaphore, #tpu.memory_space<semaphore_mem>>)
    %scan3A = arith.constant 0 : i32
    %scan3A_98 = arith.constant 0 : i32
    %scan3A_99 = arith.constant 9 : i32
    %scan3A_100 = arith.addi %scan3A_98, %scan3A_99 : i32
    %scan3A_101 = arith.constant 1 : i32
    scf.for %scan3A_192 = %scan3A_98 to %scan3A_100 step %scan3A_101  : i32 {
      %mul3A_193 = arith.constant 2 : i32
      %mul3A_194 = arith.muli %scan3A_192, %mul3A_193 : i32
      %add3A_195 = arith.constant 0 : i32
      %add3A_196 = arith.addi %mul3A_194, %add3A_195 : i32
      %dma_wait3A_197 = arith.constant 0 : i32
      %dma_wait3A_198 = arith.constant 0 : i32
      %dma_wait3A_199 = arith.constant 0 : i32
      %dma_wait3A_200 = tpu.memref_slice %arg6[%dma_wait3A_197, %dma_wait3A_198, %dma_wait3A_199] : memref<2x512x64xf32, #tpu.memory_space<vmem>> -> memref<1x512x64xf32, #tpu.memory_space<vmem>>
      %dma_wait3A_201 = tpu.memref_squeeze %dma_wait3A_200 : memref<1x512x64xf32, #tpu.memory_space<vmem>> -> memref<512x64xf32, #tpu.memory_space<vmem>>
      %dma_wait3A_202 = arith.constant 0 : i32
      %dma_wait3A_203 = arith.constant 0 : i32
      %dma_wait3A_204 = tpu.memref_slice %arg3[%dma_wait3A_202, %dma_wait3A_203] : memref<1000001x64xf32, #tpu.memory_space<hbm>> -> memref<512x64xf32, #tpu.memory_space<hbm>>
      %dma_wait3A_205 = arith.constant 0 : i32
      %dma_wait3A_206 = arith.constant 0 : i32
      %dma_wait3A_207 = tpu.memref_slice %arg6[%dma_wait3A_197, %dma_wait3A_205, %dma_wait3A_206] : memref<2x512x64xf32, #tpu.memory_space<vmem>> -> memref<1x512x64xf32, #tpu.memory_space<vmem>>
      %dma_wait3A_208 = tpu.memref_squeeze %dma_wait3A_207 : memref<1x512x64xf32, #tpu.memory_space<vmem>> -> memref<512x64xf32, #tpu.memory_space<vmem>>
      %dma_wait3A_209 = arith.constant 0 : i32
      %dma_wait3A_210 = arith.constant 0 : i32
      %dma_wait3A_211 = tpu.memref_slice %arg3[%dma_wait3A_209, %dma_wait3A_210] : memref<1000001x64xf32, #tpu.memory_space<hbm>> -> memref<512x64xf32, #tpu.memory_space<hbm>>
      tpu.wait_dma2 semaphore(%arg7 : memref<!tpu.dma_semaphore, #tpu.memory_space<semaphore_mem>>) src(%dma_wait3A_211 : memref<512x64xf32, #tpu.memory_space<hbm>>) dst(%dma_wait3A_208 : memref<512x64xf32, #tpu.memory_space<vmem>>)
      %mul3A_212 = arith.constant 512 : i32
      %mul3A_213 = arith.muli %add3A_196, %mul3A_212 : i32
      %add3A_214 = arith.addi %mul3A_2, %mul3A_213 : i32
      %dma_start3A_215 = arith.constant 0 : i32
      %dma_start3A_216 = arith.constant 0 : i32
      %dma_start3A_217 = arith.constant 0 : i32
      %dma_start3A_218 = tpu.memref_slice %arg6[%dma_start3A_215, %dma_start3A_216, %dma_start3A_217] : memref<2x512x64xf32, #tpu.memory_space<vmem>> -> memref<1x512x64xf32, #tpu.memory_space<vmem>>
      %dma_start3A_219 = tpu.memref_squeeze %dma_start3A_218 : memref<1x512x64xf32, #tpu.memory_space<vmem>> -> memref<512x64xf32, #tpu.memory_space<vmem>>
      %dma_start3A_220 = arith.constant 0 : i32
      %dma_start3A_221 = tpu.memref_slice %arg4[%add3A_214, %dma_start3A_220] : memref<327680x64xf32, #tpu.memory_space<hbm>> -> memref<512x64xf32, #tpu.memory_space<hbm>>
      %dma_start3A_222 = arith.constant 0 : i32
      %dma_start3A_223 = tpu.memref_slice %arg4[%add3A_214, %dma_start3A_222] : memref<327680x64xf32, #tpu.memory_space<hbm>> -> memref<512x64xf32, #tpu.memory_space<hbm>>
      %dma_start3A_224 = arith.constant 0 : i32
      %dma_start3A_225 = arith.constant 0 : i32
      %dma_start3A_226 = tpu.memref_slice %arg6[%dma_start3A_215, %dma_start3A_224, %dma_start3A_225] : memref<2x512x64xf32, #tpu.memory_space<vmem>> -> memref<1x512x64xf32, #tpu.memory_space<vmem>>
      %dma_start3A_227 = tpu.memref_squeeze %dma_start3A_226 : memref<1x512x64xf32, #tpu.memory_space<vmem>> -> memref<512x64xf32, #tpu.memory_space<vmem>>
      tpu.enqueue_dma source(%dma_start3A_227 : memref<512x64xf32, #tpu.memory_space<vmem>>) target(%dma_start3A_223 : memref<512x64xf32, #tpu.memory_space<hbm>>) target_semaphore(%arg9 : memref<!tpu.dma_semaphore, #tpu.memory_space<semaphore_mem>>)
      %dma_wait3A_228 = arith.constant 0 : i32
      %dma_wait3A_229 = arith.constant 0 : i32
      %dma_wait3A_230 = arith.constant 0 : i32
      %dma_wait3A_231 = tpu.memref_slice %arg6[%dma_wait3A_228, %dma_wait3A_229, %dma_wait3A_230] : memref<2x512x64xf32, #tpu.memory_space<vmem>> -> memref<1x512x64xf32, #tpu.memory_space<vmem>>
      %dma_wait3A_232 = tpu.memref_squeeze %dma_wait3A_231 : memref<1x512x64xf32, #tpu.memory_space<vmem>> -> memref<512x64xf32, #tpu.memory_space<vmem>>
      %dma_wait3A_233 = arith.constant 0 : i32
      %dma_wait3A_234 = arith.constant 0 : i32
      %dma_wait3A_235 = tpu.memref_slice %arg3[%dma_wait3A_233, %dma_wait3A_234] : memref<1000001x64xf32, #tpu.memory_space<hbm>> -> memref<512x64xf32, #tpu.memory_space<hbm>>
      %dma_wait3A_236 = arith.constant 0 : i32
      %dma_wait3A_237 = arith.constant 0 : i32
      %dma_wait3A_238 = tpu.memref_slice %arg6[%dma_wait3A_228, %dma_wait3A_236, %dma_wait3A_237] : memref<2x512x64xf32, #tpu.memory_space<vmem>> -> memref<1x512x64xf32, #tpu.memory_space<vmem>>
      %dma_wait3A_239 = tpu.memref_squeeze %dma_wait3A_238 : memref<1x512x64xf32, #tpu.memory_space<vmem>> -> memref<512x64xf32, #tpu.memory_space<vmem>>
      %dma_wait3A_240 = arith.constant 0 : i32
      %dma_wait3A_241 = arith.constant 0 : i32
      %dma_wait3A_242 = tpu.memref_slice %arg3[%dma_wait3A_240, %dma_wait3A_241] : memref<1000001x64xf32, #tpu.memory_space<hbm>> -> memref<512x64xf32, #tpu.memory_space<hbm>>
      tpu.wait_dma2 semaphore(%arg9 : memref<!tpu.dma_semaphore, #tpu.memory_space<semaphore_mem>>) src(%dma_wait3A_242 : memref<512x64xf32, #tpu.memory_space<hbm>>) dst(%dma_wait3A_239 : memref<512x64xf32, #tpu.memory_space<vmem>>)
      %add3A_243 = arith.constant 2 : i32
      %add3A_244 = arith.addi %add3A_196, %add3A_243 : i32
      %mul3A_245 = arith.constant 4 : i32
      %mul3A_246 = arith.muli %add3A_244, %mul3A_245 : i32
      %add3A_247 = arith.constant 0 : i32
      %add3A_248 = arith.addi %mul3A_246, %add3A_247 : i32
      %dma_start3A_249 = arith.constant 0 : i32
      %dma_start3A_250 = arith.constant 0 : i32
      %dma_start3A_251 = arith.constant 0 : i32
      %dma_start3A_252 = tpu.memref_slice %arg6[%dma_start3A_249, %dma_start3A_250, %dma_start3A_251] : memref<2x512x64xf32, #tpu.memory_space<vmem>> -> memref<1x128x64xf32, #tpu.memory_space<vmem>>
      %dma_start3A_253 = tpu.memref_squeeze %dma_start3A_252 : memref<1x128x64xf32, #tpu.memory_space<vmem>> -> memref<128x64xf32, #tpu.memory_space<vmem>>
      %dma_start3A_254 = arith.constant 0 : i32
      %dma_start3A_255 = tpu.memref_slice %arg5[%add3A_248, %dma_start3A_254] : memref<80x128xi32, #tpu.memory_space<vmem>> -> memref<1x128xi32, #tpu.memory_space<vmem>>
      %dma_start3A_256 = tpu.memref_squeeze %dma_start3A_255 : memref<1x128xi32, #tpu.memory_space<vmem>> -> memref<128xi32, #tpu.memory_space<vmem>>
      %dma_start3A_257 = arith.constant 0 : i32
      %dma_start3A_258 = arith.constant 0 : i32
      %dma_start3A_259 = tpu.memref_slice %arg3[%dma_start3A_257, %dma_start3A_258] : memref<1000001x64xf32, #tpu.memory_space<hbm>> -> memref<1000001x64xf32, #tpu.memory_space<hbm>>
      tpu.enqueue_indirect_dma source(%dma_start3A_259 : memref<1000001x64xf32, #tpu.memory_space<hbm>>) target(%dma_start3A_253 : memref<128x64xf32, #tpu.memory_space<vmem>>) offsets(%dma_start3A_256 : memref<128xi32, #tpu.memory_space<vmem>>) semaphore(%arg7 : memref<!tpu.dma_semaphore, #tpu.memory_space<semaphore_mem>>)
      %mul3A_260 = arith.constant 4 : i32
      %mul3A_261 = arith.muli %add3A_244, %mul3A_260 : i32
      %add3A_262 = arith.constant 1 : i32
      %add3A_263 = arith.addi %mul3A_261, %add3A_262 : i32
      %dma_start3A_264 = arith.constant 0 : i32
      %dma_start3A_265 = arith.constant 128 : i32
      %dma_start3A_266 = arith.constant 0 : i32
      %dma_start3A_267 = tpu.memref_slice %arg6[%dma_start3A_264, %dma_start3A_265, %dma_start3A_266] : memref<2x512x64xf32, #tpu.memory_space<vmem>> -> memref<1x128x64xf32, #tpu.memory_space<vmem>>
      %dma_start3A_268 = tpu.memref_squeeze %dma_start3A_267 : memref<1x128x64xf32, #tpu.memory_space<vmem>> -> memref<128x64xf32, #tpu.memory_space<vmem>>
      %dma_start3A_269 = arith.constant 0 : i32
      %dma_start3A_270 = tpu.memref_slice %arg5[%add3A_263, %dma_start3A_269] : memref<80x128xi32, #tpu.memory_space<vmem>> -> memref<1x128xi32, #tpu.memory_space<vmem>>
      %dma_start3A_271 = tpu.memref_squeeze %dma_start3A_270 : memref<1x128xi32, #tpu.memory_space<vmem>> -> memref<128xi32, #tpu.memory_space<vmem>>
      %dma_start3A_272 = arith.constant 0 : i32
      %dma_start3A_273 = arith.constant 0 : i32
      %dma_start3A_274 = tpu.memref_slice %arg3[%dma_start3A_272, %dma_start3A_273] : memref<1000001x64xf32, #tpu.memory_space<hbm>> -> memref<1000001x64xf32, #tpu.memory_space<hbm>>
      tpu.enqueue_indirect_dma source(%dma_start3A_274 : memref<1000001x64xf32, #tpu.memory_space<hbm>>) target(%dma_start3A_268 : memref<128x64xf32, #tpu.memory_space<vmem>>) offsets(%dma_start3A_271 : memref<128xi32, #tpu.memory_space<vmem>>) semaphore(%arg7 : memref<!tpu.dma_semaphore, #tpu.memory_space<semaphore_mem>>)
      %mul3A_275 = arith.constant 4 : i32
      %mul3A_276 = arith.muli %add3A_244, %mul3A_275 : i32
      %add3A_277 = arith.constant 2 : i32
      %add3A_278 = arith.addi %mul3A_276, %add3A_277 : i32
      %dma_start3A_279 = arith.constant 0 : i32
      %dma_start3A_280 = arith.constant 256 : i32
      %dma_start3A_281 = arith.constant 0 : i32
      %dma_start3A_282 = tpu.memref_slice %arg6[%dma_start3A_279, %dma_start3A_280, %dma_start3A_281] : memref<2x512x64xf32, #tpu.memory_space<vmem>> -> memref<1x128x64xf32, #tpu.memory_space<vmem>>
      %dma_start3A_283 = tpu.memref_squeeze %dma_start3A_282 : memref<1x128x64xf32, #tpu.memory_space<vmem>> -> memref<128x64xf32, #tpu.memory_space<vmem>>
      %dma_start3A_284 = arith.constant 0 : i32
      %dma_start3A_285 = tpu.memref_slice %arg5[%add3A_278, %dma_start3A_284] : memref<80x128xi32, #tpu.memory_space<vmem>> -> memref<1x128xi32, #tpu.memory_space<vmem>>
      %dma_start3A_286 = tpu.memref_squeeze %dma_start3A_285 : memref<1x128xi32, #tpu.memory_space<vmem>> -> memref<128xi32, #tpu.memory_space<vmem>>
      %dma_start3A_287 = arith.constant 0 : i32
      %dma_start3A_288 = arith.constant 0 : i32
      %dma_start3A_289 = tpu.memref_slice %arg3[%dma_start3A_287, %dma_start3A_288] : memref<1000001x64xf32, #tpu.memory_space<hbm>> -> memref<1000001x64xf32, #tpu.memory_space<hbm>>
      tpu.enqueue_indirect_dma source(%dma_start3A_289 : memref<1000001x64xf32, #tpu.memory_space<hbm>>) target(%dma_start3A_283 : memref<128x64xf32, #tpu.memory_space<vmem>>) offsets(%dma_start3A_286 : memref<128xi32, #tpu.memory_space<vmem>>) semaphore(%arg7 : memref<!tpu.dma_semaphore, #tpu.memory_space<semaphore_mem>>)
      %mul3A_290 = arith.constant 4 : i32
      %mul3A_291 = arith.muli %add3A_244, %mul3A_290 : i32
      %add3A_292 = arith.constant 3 : i32
      %add3A_293 = arith.addi %mul3A_291, %add3A_292 : i32
      %dma_start3A_294 = arith.constant 0 : i32
      %dma_start3A_295 = arith.constant 384 : i32
      %dma_start3A_296 = arith.constant 0 : i32
      %dma_start3A_297 = tpu.memref_slice %arg6[%dma_start3A_294, %dma_start3A_295, %dma_start3A_296] : memref<2x512x64xf32, #tpu.memory_space<vmem>> -> memref<1x128x64xf32, #tpu.memory_space<vmem>>
      %dma_start3A_298 = tpu.memref_squeeze %dma_start3A_297 : memref<1x128x64xf32, #tpu.memory_space<vmem>> -> memref<128x64xf32, #tpu.memory_space<vmem>>
      %dma_start3A_299 = arith.constant 0 : i32
      %dma_start3A_300 = tpu.memref_slice %arg5[%add3A_293, %dma_start3A_299] : memref<80x128xi32, #tpu.memory_space<vmem>> -> memref<1x128xi32, #tpu.memory_space<vmem>>
      %dma_start3A_301 = tpu.memref_squeeze %dma_start3A_300 : memref<1x128xi32, #tpu.memory_space<vmem>> -> memref<128xi32, #tpu.memory_space<vmem>>
      %dma_start3A_302 = arith.constant 0 : i32
      %dma_start3A_303 = arith.constant 0 : i32
      %dma_start3A_304 = tpu.memref_slice %arg3[%dma_start3A_302, %dma_start3A_303] : memref<1000001x64xf32, #tpu.memory_space<hbm>> -> memref<1000001x64xf32, #tpu.memory_space<hbm>>
      tpu.enqueue_indirect_dma source(%dma_start3A_304 : memref<1000001x64xf32, #tpu.memory_space<hbm>>) target(%dma_start3A_298 : memref<128x64xf32, #tpu.memory_space<vmem>>) offsets(%dma_start3A_301 : memref<128xi32, #tpu.memory_space<vmem>>) semaphore(%arg7 : memref<!tpu.dma_semaphore, #tpu.memory_space<semaphore_mem>>)
      %add3A_305 = arith.constant 1 : i32
      %add3A_306 = arith.addi %mul3A_194, %add3A_305 : i32
      %dma_wait3A_307 = arith.constant 1 : i32
      %dma_wait3A_308 = arith.constant 0 : i32
      %dma_wait3A_309 = arith.constant 0 : i32
      %dma_wait3A_310 = tpu.memref_slice %arg6[%dma_wait3A_307, %dma_wait3A_308, %dma_wait3A_309] : memref<2x512x64xf32, #tpu.memory_space<vmem>> -> memref<1x512x64xf32, #tpu.memory_space<vmem>>
      %dma_wait3A_311 = tpu.memref_squeeze %dma_wait3A_310 : memref<1x512x64xf32, #tpu.memory_space<vmem>> -> memref<512x64xf32, #tpu.memory_space<vmem>>
      %dma_wait3A_312 = arith.constant 0 : i32
      %dma_wait3A_313 = arith.constant 0 : i32
      %dma_wait3A_314 = tpu.memref_slice %arg3[%dma_wait3A_312, %dma_wait3A_313] : memref<1000001x64xf32, #tpu.memory_space<hbm>> -> memref<512x64xf32, #tpu.memory_space<hbm>>
      %dma_wait3A_315 = arith.constant 0 : i32
      %dma_wait3A_316 = arith.constant 0 : i32
      %dma_wait3A_317 = tpu.memref_slice %arg6[%dma_wait3A_307, %dma_wait3A_315, %dma_wait3A_316] : memref<2x512x64xf32, #tpu.memory_space<vmem>> -> memref<1x512x64xf32, #tpu.memory_space<vmem>>
      %dma_wait3A_318 = tpu.memref_squeeze %dma_wait3A_317 : memref<1x512x64xf32, #tpu.memory_space<vmem>> -> memref<512x64xf32, #tpu.memory_space<vmem>>
      %dma_wait3A_319 = arith.constant 0 : i32
      %dma_wait3A_320 = arith.constant 0 : i32
      %dma_wait3A_321 = tpu.memref_slice %arg3[%dma_wait3A_319, %dma_wait3A_320] : memref<1000001x64xf32, #tpu.memory_space<hbm>> -> memref<512x64xf32, #tpu.memory_space<hbm>>
      tpu.wait_dma2 semaphore(%arg8 : memref<!tpu.dma_semaphore, #tpu.memory_space<semaphore_mem>>) src(%dma_wait3A_321 : memref<512x64xf32, #tpu.memory_space<hbm>>) dst(%dma_wait3A_318 : memref<512x64xf32, #tpu.memory_space<vmem>>)
      %mul3A_322 = arith.constant 512 : i32
      %mul3A_323 = arith.muli %add3A_306, %mul3A_322 : i32
      %add3A_324 = arith.addi %mul3A_2, %mul3A_323 : i32
      %dma_start3A_325 = arith.constant 1 : i32
      %dma_start3A_326 = arith.constant 0 : i32
      %dma_start3A_327 = arith.constant 0 : i32
      %dma_start3A_328 = tpu.memref_slice %arg6[%dma_start3A_325, %dma_start3A_326, %dma_start3A_327] : memref<2x512x64xf32, #tpu.memory_space<vmem>> -> memref<1x512x64xf32, #tpu.memory_space<vmem>>
      %dma_start3A_329 = tpu.memref_squeeze %dma_start3A_328 : memref<1x512x64xf32, #tpu.memory_space<vmem>> -> memref<512x64xf32, #tpu.memory_space<vmem>>
      %dma_start3A_330 = arith.constant 0 : i32
      %dma_start3A_331 = tpu.memref_slice %arg4[%add3A_324, %dma_start3A_330] : memref<327680x64xf32, #tpu.memory_space<hbm>> -> memref<512x64xf32, #tpu.memory_space<hbm>>
      %dma_start3A_332 = arith.constant 0 : i32
      %dma_start3A_333 = tpu.memref_slice %arg4[%add3A_324, %dma_start3A_332] : memref<327680x64xf32, #tpu.memory_space<hbm>> -> memref<512x64xf32, #tpu.memory_space<hbm>>
      %dma_start3A_334 = arith.constant 0 : i32
      %dma_start3A_335 = arith.constant 0 : i32
      %dma_start3A_336 = tpu.memref_slice %arg6[%dma_start3A_325, %dma_start3A_334, %dma_start3A_335] : memref<2x512x64xf32, #tpu.memory_space<vmem>> -> memref<1x512x64xf32, #tpu.memory_space<vmem>>
      %dma_start3A_337 = tpu.memref_squeeze %dma_start3A_336 : memref<1x512x64xf32, #tpu.memory_space<vmem>> -> memref<512x64xf32, #tpu.memory_space<vmem>>
      tpu.enqueue_dma source(%dma_start3A_337 : memref<512x64xf32, #tpu.memory_space<vmem>>) target(%dma_start3A_333 : memref<512x64xf32, #tpu.memory_space<hbm>>) target_semaphore(%arg10 : memref<!tpu.dma_semaphore, #tpu.memory_space<semaphore_mem>>)
      %dma_wait3A_338 = arith.constant 1 : i32
      %dma_wait3A_339 = arith.constant 0 : i32
      %dma_wait3A_340 = arith.constant 0 : i32
      %dma_wait3A_341 = tpu.memref_slice %arg6[%dma_wait3A_338, %dma_wait3A_339, %dma_wait3A_340] : memref<2x512x64xf32, #tpu.memory_space<vmem>> -> memref<1x512x64xf32, #tpu.memory_space<vmem>>
      %dma_wait3A_342 = tpu.memref_squeeze %dma_wait3A_341 : memref<1x512x64xf32, #tpu.memory_space<vmem>> -> memref<512x64xf32, #tpu.memory_space<vmem>>
      %dma_wait3A_343 = arith.constant 0 : i32
      %dma_wait3A_344 = arith.constant 0 : i32
      %dma_wait3A_345 = tpu.memref_slice %arg3[%dma_wait3A_343, %dma_wait3A_344] : memref<1000001x64xf32, #tpu.memory_space<hbm>> -> memref<512x64xf32, #tpu.memory_space<hbm>>
      %dma_wait3A_346 = arith.constant 0 : i32
      %dma_wait3A_347 = arith.constant 0 : i32
      %dma_wait3A_348 = tpu.memref_slice %arg6[%dma_wait3A_338, %dma_wait3A_346, %dma_wait3A_347] : memref<2x512x64xf32, #tpu.memory_space<vmem>> -> memref<1x512x64xf32, #tpu.memory_space<vmem>>
      %dma_wait3A_349 = tpu.memref_squeeze %dma_wait3A_348 : memref<1x512x64xf32, #tpu.memory_space<vmem>> -> memref<512x64xf32, #tpu.memory_space<vmem>>
      %dma_wait3A_350 = arith.constant 0 : i32
      %dma_wait3A_351 = arith.constant 0 : i32
      %dma_wait3A_352 = tpu.memref_slice %arg3[%dma_wait3A_350, %dma_wait3A_351] : memref<1000001x64xf32, #tpu.memory_space<hbm>> -> memref<512x64xf32, #tpu.memory_space<hbm>>
      tpu.wait_dma2 semaphore(%arg10 : memref<!tpu.dma_semaphore, #tpu.memory_space<semaphore_mem>>) src(%dma_wait3A_352 : memref<512x64xf32, #tpu.memory_space<hbm>>) dst(%dma_wait3A_349 : memref<512x64xf32, #tpu.memory_space<vmem>>)
      %add3A_353 = arith.constant 2 : i32
      %add3A_354 = arith.addi %add3A_306, %add3A_353 : i32
      %mul3A_355 = arith.constant 4 : i32
      %mul3A_356 = arith.muli %add3A_354, %mul3A_355 : i32
      %add3A_357 = arith.constant 0 : i32
      %add3A_358 = arith.addi %mul3A_356, %add3A_357 : i32
      %dma_start3A_359 = arith.constant 1 : i32
      %dma_start3A_360 = arith.constant 0 : i32
      %dma_start3A_361 = arith.constant 0 : i32
      %dma_start3A_362 = tpu.memref_slice %arg6[%dma_start3A_359, %dma_start3A_360, %dma_start3A_361] : memref<2x512x64xf32, #tpu.memory_space<vmem>> -> memref<1x128x64xf32, #tpu.memory_space<vmem>>
      %dma_start3A_363 = tpu.memref_squeeze %dma_start3A_362 : memref<1x128x64xf32, #tpu.memory_space<vmem>> -> memref<128x64xf32, #tpu.memory_space<vmem>>
      %dma_start3A_364 = arith.constant 0 : i32
      %dma_start3A_365 = tpu.memref_slice %arg5[%add3A_358, %dma_start3A_364] : memref<80x128xi32, #tpu.memory_space<vmem>> -> memref<1x128xi32, #tpu.memory_space<vmem>>
      %dma_start3A_366 = tpu.memref_squeeze %dma_start3A_365 : memref<1x128xi32, #tpu.memory_space<vmem>> -> memref<128xi32, #tpu.memory_space<vmem>>
      %dma_start3A_367 = arith.constant 0 : i32
      %dma_start3A_368 = arith.constant 0 : i32
      %dma_start3A_369 = tpu.memref_slice %arg3[%dma_start3A_367, %dma_start3A_368] : memref<1000001x64xf32, #tpu.memory_space<hbm>> -> memref<1000001x64xf32, #tpu.memory_space<hbm>>
      tpu.enqueue_indirect_dma source(%dma_start3A_369 : memref<1000001x64xf32, #tpu.memory_space<hbm>>) target(%dma_start3A_363 : memref<128x64xf32, #tpu.memory_space<vmem>>) offsets(%dma_start3A_366 : memref<128xi32, #tpu.memory_space<vmem>>) semaphore(%arg8 : memref<!tpu.dma_semaphore, #tpu.memory_space<semaphore_mem>>)
      %mul3A_370 = arith.constant 4 : i32
      %mul3A_371 = arith.muli %add3A_354, %mul3A_370 : i32
      %add3A_372 = arith.constant 1 : i32
      %add3A_373 = arith.addi %mul3A_371, %add3A_372 : i32
      %dma_start3A_374 = arith.constant 1 : i32
      %dma_start3A_375 = arith.constant 128 : i32
      %dma_start3A_376 = arith.constant 0 : i32
      %dma_start3A_377 = tpu.memref_slice %arg6[%dma_start3A_374, %dma_start3A_375, %dma_start3A_376] : memref<2x512x64xf32, #tpu.memory_space<vmem>> -> memref<1x128x64xf32, #tpu.memory_space<vmem>>
      %dma_start3A_378 = tpu.memref_squeeze %dma_start3A_377 : memref<1x128x64xf32, #tpu.memory_space<vmem>> -> memref<128x64xf32, #tpu.memory_space<vmem>>
      %dma_start3A_379 = arith.constant 0 : i32
      %dma_start3A_380 = tpu.memref_slice %arg5[%add3A_373, %dma_start3A_379] : memref<80x128xi32, #tpu.memory_space<vmem>> -> memref<1x128xi32, #tpu.memory_space<vmem>>
      %dma_start3A_381 = tpu.memref_squeeze %dma_start3A_380 : memref<1x128xi32, #tpu.memory_space<vmem>> -> memref<128xi32, #tpu.memory_space<vmem>>
      %dma_start3A_382 = arith.constant 0 : i32
      %dma_start3A_383 = arith.constant 0 : i32
      %dma_start3A_384 = tpu.memref_slice %arg3[%dma_start3A_382, %dma_start3A_383] : memref<1000001x64xf32, #tpu.memory_space<hbm>> -> memref<1000001x64xf32, #tpu.memory_space<hbm>>
      tpu.enqueue_indirect_dma source(%dma_start3A_384 : memref<1000001x64xf32, #tpu.memory_space<hbm>>) target(%dma_start3A_378 : memref<128x64xf32, #tpu.memory_space<vmem>>) offsets(%dma_start3A_381 : memref<128xi32, #tpu.memory_space<vmem>>) semaphore(%arg8 : memref<!tpu.dma_semaphore, #tpu.memory_space<semaphore_mem>>)
      %mul3A_385 = arith.constant 4 : i32
      %mul3A_386 = arith.muli %add3A_354, %mul3A_385 : i32
      %add3A_387 = arith.constant 2 : i32
      %add3A_388 = arith.addi %mul3A_386, %add3A_387 : i32
      %dma_start3A_389 = arith.constant 1 : i32
      %dma_start3A_390 = arith.constant 256 : i32
      %dma_start3A_391 = arith.constant 0 : i32
      %dma_start3A_392 = tpu.memref_slice %arg6[%dma_start3A_389, %dma_start3A_390, %dma_start3A_391] : memref<2x512x64xf32, #tpu.memory_space<vmem>> -> memref<1x128x64xf32, #tpu.memory_space<vmem>>
      %dma_start3A_393 = tpu.memref_squeeze %dma_start3A_392 : memref<1x128x64xf32, #tpu.memory_space<vmem>> -> memref<128x64xf32, #tpu.memory_space<vmem>>
      %dma_start3A_394 = arith.constant 0 : i32
      %dma_start3A_395 = tpu.memref_slice %arg5[%add3A_388, %dma_start3A_394] : memref<80x128xi32, #tpu.memory_space<vmem>> -> memref<1x128xi32, #tpu.memory_space<vmem>>
      %dma_start3A_396 = tpu.memref_squeeze %dma_start3A_395 : memref<1x128xi32, #tpu.memory_space<vmem>> -> memref<128xi32, #tpu.memory_space<vmem>>
      %dma_start3A_397 = arith.constant 0 : i32
      %dma_start3A_398 = arith.constant 0 : i32
      %dma_start3A_399 = tpu.memref_slice %arg3[%dma_start3A_397, %dma_start3A_398] : memref<1000001x64xf32, #tpu.memory_space<hbm>> -> memref<1000001x64xf32, #tpu.memory_space<hbm>>
      tpu.enqueue_indirect_dma source(%dma_start3A_399 : memref<1000001x64xf32, #tpu.memory_space<hbm>>) target(%dma_start3A_393 : memref<128x64xf32, #tpu.memory_space<vmem>>) offsets(%dma_start3A_396 : memref<128xi32, #tpu.memory_space<vmem>>) semaphore(%arg8 : memref<!tpu.dma_semaphore, #tpu.memory_space<semaphore_mem>>)
      %mul3A_400 = arith.constant 4 : i32
      %mul3A_401 = arith.muli %add3A_354, %mul3A_400 : i32
      %add3A_402 = arith.constant 3 : i32
      %add3A_403 = arith.addi %mul3A_401, %add3A_402 : i32
      %dma_start3A_404 = arith.constant 1 : i32
      %dma_start3A_405 = arith.constant 384 : i32
      %dma_start3A_406 = arith.constant 0 : i32
      %dma_start3A_407 = tpu.memref_slice %arg6[%dma_start3A_404, %dma_start3A_405, %dma_start3A_406] : memref<2x512x64xf32, #tpu.memory_space<vmem>> -> memref<1x128x64xf32, #tpu.memory_space<vmem>>
      %dma_start3A_408 = tpu.memref_squeeze %dma_start3A_407 : memref<1x128x64xf32, #tpu.memory_space<vmem>> -> memref<128x64xf32, #tpu.memory_space<vmem>>
      %dma_start3A_409 = arith.constant 0 : i32
      %dma_start3A_410 = tpu.memref_slice %arg5[%add3A_403, %dma_start3A_409] : memref<80x128xi32, #tpu.memory_space<vmem>> -> memref<1x128xi32, #tpu.memory_space<vmem>>
      %dma_start3A_411 = tpu.memref_squeeze %dma_start3A_410 : memref<1x128xi32, #tpu.memory_space<vmem>> -> memref<128xi32, #tpu.memory_space<vmem>>
      %dma_start3A_412 = arith.constant 0 : i32
      %dma_start3A_413 = arith.constant 0 : i32
      %dma_start3A_414 = tpu.memref_slice %arg3[%dma_start3A_412, %dma_start3A_413] : memref<1000001x64xf32, #tpu.memory_space<hbm>> -> memref<1000001x64xf32, #tpu.memory_space<hbm>>
      tpu.enqueue_indirect_dma source(%dma_start3A_414 : memref<1000001x64xf32, #tpu.memory_space<hbm>>) target(%dma_start3A_408 : memref<128x64xf32, #tpu.memory_space<vmem>>) offsets(%dma_start3A_411 : memref<128xi32, #tpu.memory_space<vmem>>) semaphore(%arg8 : memref<!tpu.dma_semaphore, #tpu.memory_space<semaphore_mem>>)
    }
    %scan3A_102 = arith.constant 9 : i32
    %dma_wait3A = arith.constant 0 : i32
    %dma_wait3A_103 = arith.constant 0 : i32
    %dma_wait3A_104 = arith.constant 0 : i32
    %dma_wait3A_105 = tpu.memref_slice %arg6[%dma_wait3A, %dma_wait3A_103, %dma_wait3A_104] : memref<2x512x64xf32, #tpu.memory_space<vmem>> -> memref<1x512x64xf32, #tpu.memory_space<vmem>>
    %dma_wait3A_106 = tpu.memref_squeeze %dma_wait3A_105 : memref<1x512x64xf32, #tpu.memory_space<vmem>> -> memref<512x64xf32, #tpu.memory_space<vmem>>
    %dma_wait3A_107 = arith.constant 0 : i32
    %dma_wait3A_108 = arith.constant 0 : i32
    %dma_wait3A_109 = tpu.memref_slice %arg3[%dma_wait3A_107, %dma_wait3A_108] : memref<1000001x64xf32, #tpu.memory_space<hbm>> -> memref<512x64xf32, #tpu.memory_space<hbm>>
    %dma_wait3A_110 = arith.constant 0 : i32
    %dma_wait3A_111 = arith.constant 0 : i32
    %dma_wait3A_112 = tpu.memref_slice %arg6[%dma_wait3A, %dma_wait3A_110, %dma_wait3A_111] : memref<2x512x64xf32, #tpu.memory_space<vmem>> -> memref<1x512x64xf32, #tpu.memory_space<vmem>>
    %dma_wait3A_113 = tpu.memref_squeeze %dma_wait3A_112 : memref<1x512x64xf32, #tpu.memory_space<vmem>> -> memref<512x64xf32, #tpu.memory_space<vmem>>
    %dma_wait3A_114 = arith.constant 0 : i32
    %dma_wait3A_115 = arith.constant 0 : i32
    %dma_wait3A_116 = tpu.memref_slice %arg3[%dma_wait3A_114, %dma_wait3A_115] : memref<1000001x64xf32, #tpu.memory_space<hbm>> -> memref<512x64xf32, #tpu.memory_space<hbm>>
    tpu.wait_dma2 semaphore(%arg7 : memref<!tpu.dma_semaphore, #tpu.memory_space<semaphore_mem>>) src(%dma_wait3A_116 : memref<512x64xf32, #tpu.memory_space<hbm>>) dst(%dma_wait3A_113 : memref<512x64xf32, #tpu.memory_space<vmem>>)
    %add3A_117 = arith.constant 9216 : i32
    %add3A_118 = arith.addi %mul3A_2, %add3A_117 : i32
    %dma_start3A_119 = arith.constant 0 : i32
    %dma_start3A_120 = arith.constant 0 : i32
    %dma_start3A_121 = arith.constant 0 : i32
    %dma_start3A_122 = tpu.memref_slice %arg6[%dma_start3A_119, %dma_start3A_120, %dma_start3A_121] : memref<2x512x64xf32, #tpu.memory_space<vmem>> -> memref<1x512x64xf32, #tpu.memory_space<vmem>>
    %dma_start3A_123 = tpu.memref_squeeze %dma_start3A_122 : memref<1x512x64xf32, #tpu.memory_space<vmem>> -> memref<512x64xf32, #tpu.memory_space<vmem>>
    %dma_start3A_124 = arith.constant 0 : i32
    %dma_start3A_125 = tpu.memref_slice %arg4[%add3A_118, %dma_start3A_124] : memref<327680x64xf32, #tpu.memory_space<hbm>> -> memref<512x64xf32, #tpu.memory_space<hbm>>
    %dma_start3A_126 = arith.constant 0 : i32
    %dma_start3A_127 = tpu.memref_slice %arg4[%add3A_118, %dma_start3A_126] : memref<327680x64xf32, #tpu.memory_space<hbm>> -> memref<512x64xf32, #tpu.memory_space<hbm>>
    %dma_start3A_128 = arith.constant 0 : i32
    %dma_start3A_129 = arith.constant 0 : i32
    %dma_start3A_130 = tpu.memref_slice %arg6[%dma_start3A_119, %dma_start3A_128, %dma_start3A_129] : memref<2x512x64xf32, #tpu.memory_space<vmem>> -> memref<1x512x64xf32, #tpu.memory_space<vmem>>
    %dma_start3A_131 = tpu.memref_squeeze %dma_start3A_130 : memref<1x512x64xf32, #tpu.memory_space<vmem>> -> memref<512x64xf32, #tpu.memory_space<vmem>>
    tpu.enqueue_dma source(%dma_start3A_131 : memref<512x64xf32, #tpu.memory_space<vmem>>) target(%dma_start3A_127 : memref<512x64xf32, #tpu.memory_space<hbm>>) target_semaphore(%arg9 : memref<!tpu.dma_semaphore, #tpu.memory_space<semaphore_mem>>)
    %dma_wait3A_132 = arith.constant 0 : i32
    %dma_wait3A_133 = arith.constant 0 : i32
    %dma_wait3A_134 = arith.constant 0 : i32
    %dma_wait3A_135 = tpu.memref_slice %arg6[%dma_wait3A_132, %dma_wait3A_133, %dma_wait3A_134] : memref<2x512x64xf32, #tpu.memory_space<vmem>> -> memref<1x512x64xf32, #tpu.memory_space<vmem>>
    %dma_wait3A_136 = tpu.memref_squeeze %dma_wait3A_135 : memref<1x512x64xf32, #tpu.memory_space<vmem>> -> memref<512x64xf32, #tpu.memory_space<vmem>>
    %dma_wait3A_137 = arith.constant 0 : i32
    %dma_wait3A_138 = arith.constant 0 : i32
    %dma_wait3A_139 = tpu.memref_slice %arg3[%dma_wait3A_137, %dma_wait3A_138] : memref<1000001x64xf32, #tpu.memory_space<hbm>> -> memref<512x64xf32, #tpu.memory_space<hbm>>
    %dma_wait3A_140 = arith.constant 0 : i32
    %dma_wait3A_141 = arith.constant 0 : i32
    %dma_wait3A_142 = tpu.memref_slice %arg6[%dma_wait3A_132, %dma_wait3A_140, %dma_wait3A_141] : memref<2x512x64xf32, #tpu.memory_space<vmem>> -> memref<1x512x64xf32, #tpu.memory_space<vmem>>
    %dma_wait3A_143 = tpu.memref_squeeze %dma_wait3A_142 : memref<1x512x64xf32, #tpu.memory_space<vmem>> -> memref<512x64xf32, #tpu.memory_space<vmem>>
    %dma_wait3A_144 = arith.constant 0 : i32
    %dma_wait3A_145 = arith.constant 0 : i32
    %dma_wait3A_146 = tpu.memref_slice %arg3[%dma_wait3A_144, %dma_wait3A_145] : memref<1000001x64xf32, #tpu.memory_space<hbm>> -> memref<512x64xf32, #tpu.memory_space<hbm>>
    tpu.wait_dma2 semaphore(%arg9 : memref<!tpu.dma_semaphore, #tpu.memory_space<semaphore_mem>>) src(%dma_wait3A_146 : memref<512x64xf32, #tpu.memory_space<hbm>>) dst(%dma_wait3A_143 : memref<512x64xf32, #tpu.memory_space<vmem>>)
    %dma_wait3A_147 = arith.constant 1 : i32
    %dma_wait3A_148 = arith.constant 0 : i32
    %dma_wait3A_149 = arith.constant 0 : i32
    %dma_wait3A_150 = tpu.memref_slice %arg6[%dma_wait3A_147, %dma_wait3A_148, %dma_wait3A_149] : memref<2x512x64xf32, #tpu.memory_space<vmem>> -> memref<1x512x64xf32, #tpu.memory_space<vmem>>
    %dma_wait3A_151 = tpu.memref_squeeze %dma_wait3A_150 : memref<1x512x64xf32, #tpu.memory_space<vmem>> -> memref<512x64xf32, #tpu.memory_space<vmem>>
    %dma_wait3A_152 = arith.constant 0 : i32
    %dma_wait3A_153 = arith.constant 0 : i32
    %dma_wait3A_154 = tpu.memref_slice %arg3[%dma_wait3A_152, %dma_wait3A_153] : memref<1000001x64xf32, #tpu.memory_space<hbm>> -> memref<512x64xf32, #tpu.memory_space<hbm>>
    %dma_wait3A_155 = arith.constant 0 : i32
    %dma_wait3A_156 = arith.constant 0 : i32
    %dma_wait3A_157 = tpu.memref_slice %arg6[%dma_wait3A_147, %dma_wait3A_155, %dma_wait3A_156] : memref<2x512x64xf32, #tpu.memory_space<vmem>> -> memref<1x512x64xf32, #tpu.memory_space<vmem>>
    %dma_wait3A_158 = tpu.memref_squeeze %dma_wait3A_157 : memref<1x512x64xf32, #tpu.memory_space<vmem>> -> memref<512x64xf32, #tpu.memory_space<vmem>>
    %dma_wait3A_159 = arith.constant 0 : i32
    %dma_wait3A_160 = arith.constant 0 : i32
    %dma_wait3A_161 = tpu.memref_slice %arg3[%dma_wait3A_159, %dma_wait3A_160] : memref<1000001x64xf32, #tpu.memory_space<hbm>> -> memref<512x64xf32, #tpu.memory_space<hbm>>
    tpu.wait_dma2 semaphore(%arg8 : memref<!tpu.dma_semaphore, #tpu.memory_space<semaphore_mem>>) src(%dma_wait3A_161 : memref<512x64xf32, #tpu.memory_space<hbm>>) dst(%dma_wait3A_158 : memref<512x64xf32, #tpu.memory_space<vmem>>)
    %add3A_162 = arith.constant 9728 : i32
    %add3A_163 = arith.addi %mul3A_2, %add3A_162 : i32
    %dma_start3A_164 = arith.constant 1 : i32
    %dma_start3A_165 = arith.constant 0 : i32
    %dma_start3A_166 = arith.constant 0 : i32
    %dma_start3A_167 = tpu.memref_slice %arg6[%dma_start3A_164, %dma_start3A_165, %dma_start3A_166] : memref<2x512x64xf32, #tpu.memory_space<vmem>> -> memref<1x512x64xf32, #tpu.memory_space<vmem>>
    %dma_start3A_168 = tpu.memref_squeeze %dma_start3A_167 : memref<1x512x64xf32, #tpu.memory_space<vmem>> -> memref<512x64xf32, #tpu.memory_space<vmem>>
    %dma_start3A_169 = arith.constant 0 : i32
    %dma_start3A_170 = tpu.memref_slice %arg4[%add3A_163, %dma_start3A_169] : memref<327680x64xf32, #tpu.memory_space<hbm>> -> memref<512x64xf32, #tpu.memory_space<hbm>>
    %dma_start3A_171 = arith.constant 0 : i32
    %dma_start3A_172 = tpu.memref_slice %arg4[%add3A_163, %dma_start3A_171] : memref<327680x64xf32, #tpu.memory_space<hbm>> -> memref<512x64xf32, #tpu.memory_space<hbm>>
    %dma_start3A_173 = arith.constant 0 : i32
    %dma_start3A_174 = arith.constant 0 : i32
    %dma_start3A_175 = tpu.memref_slice %arg6[%dma_start3A_164, %dma_start3A_173, %dma_start3A_174] : memref<2x512x64xf32, #tpu.memory_space<vmem>> -> memref<1x512x64xf32, #tpu.memory_space<vmem>>
    %dma_start3A_176 = tpu.memref_squeeze %dma_start3A_175 : memref<1x512x64xf32, #tpu.memory_space<vmem>> -> memref<512x64xf32, #tpu.memory_space<vmem>>
    tpu.enqueue_dma source(%dma_start3A_176 : memref<512x64xf32, #tpu.memory_space<vmem>>) target(%dma_start3A_172 : memref<512x64xf32, #tpu.memory_space<hbm>>) target_semaphore(%arg10 : memref<!tpu.dma_semaphore, #tpu.memory_space<semaphore_mem>>)
    %dma_wait3A_177 = arith.constant 1 : i32
    %dma_wait3A_178 = arith.constant 0 : i32
    %dma_wait3A_179 = arith.constant 0 : i32
    %dma_wait3A_180 = tpu.memref_slice %arg6[%dma_wait3A_177, %dma_wait3A_178, %dma_wait3A_179] : memref<2x512x64xf32, #tpu.memory_space<vmem>> -> memref<1x512x64xf32, #tpu.memory_space<vmem>>
    %dma_wait3A_181 = tpu.memref_squeeze %dma_wait3A_180 : memref<1x512x64xf32, #tpu.memory_space<vmem>> -> memref<512x64xf32, #tpu.memory_space<vmem>>
    %dma_wait3A_182 = arith.constant 0 : i32
    %dma_wait3A_183 = arith.constant 0 : i32
    %dma_wait3A_184 = tpu.memref_slice %arg3[%dma_wait3A_182, %dma_wait3A_183] : memref<1000001x64xf32, #tpu.memory_space<hbm>> -> memref<512x64xf32, #tpu.memory_space<hbm>>
    %dma_wait3A_185 = arith.constant 0 : i32
    %dma_wait3A_186 = arith.constant 0 : i32
    %dma_wait3A_187 = tpu.memref_slice %arg6[%dma_wait3A_177, %dma_wait3A_185, %dma_wait3A_186] : memref<2x512x64xf32, #tpu.memory_space<vmem>> -> memref<1x512x64xf32, #tpu.memory_space<vmem>>
    %dma_wait3A_188 = tpu.memref_squeeze %dma_wait3A_187 : memref<1x512x64xf32, #tpu.memory_space<vmem>> -> memref<512x64xf32, #tpu.memory_space<vmem>>
    %dma_wait3A_189 = arith.constant 0 : i32
    %dma_wait3A_190 = arith.constant 0 : i32
    %dma_wait3A_191 = tpu.memref_slice %arg3[%dma_wait3A_189, %dma_wait3A_190] : memref<1000001x64xf32, #tpu.memory_space<hbm>> -> memref<512x64xf32, #tpu.memory_space<hbm>>
    tpu.wait_dma2 semaphore(%arg10 : memref<!tpu.dma_semaphore, #tpu.memory_space<semaphore_mem>>) src(%dma_wait3A_191 : memref<512x64xf32, #tpu.memory_space<hbm>>) dst(%dma_wait3A_188 : memref<512x64xf32, #tpu.memory_space<vmem>>)
    return
  }
}

</mosaic_0001>

<sc_bundles>
// kernel: kernel.3.cloned.1.call-start
scs
__scs_entry_jumppad:
0x0: {  	(pc) =	sbr.rel $0x88, $3  }
0x1: {  	(tag) =	ssettag $0x0;
	lr =	simm.s32 $0x1  }
0x2: {  	[smem:$0x3F9F] =	sst lr;
	_ =	strace $0xD0000000  }
0x3: {  	_ = 	snop  }
0x4: {  	_ = 	snop  }
0x5: {  	_ = 	snop  }
0x6: {  	_ = 	snop  }
0x7: {  	_ = 	snop  }
__scs_overlays_trampoline_lowered:
0x8: {  	[smem:$0x3FAE] =	sst s0  }
0x9: {  	[smem:$0x3FAF] =	sst s1  }
0xa: {  	[smem:$0x3FB0] =	sst s2  }
0xb: {  	[smem:$0x3FB1] =	sst s3  }
0xc: {  	[smem:$0x3FB2] =	sst s4  }
0xd: {  	[smem:$0x3FB3] =	sst s5  }
0xe: {  	[smem:$0x3FB4] =	sst s6  }
0xf: {  	[smem:$0x3FB5] =	sst s7  }
0x10: {  	[smem:$0x3FB6] =	sst s8  }
0x11: {  	[smem:$0x3FB7] =	sst s9;
	s0 =	simm.s32 @!p0 $0x0  }
0x12: {  	s1 =	sld [smem:$0x3F9D];
	s0 =	simm.s32 @p0 $0x1  }
0x13: {  	[smem:$0x3FB8] =	sst s0;
	s0 =	simm.s32 @!p1 $0x0  }
0x14: {  	s2 =	sld [smem:$0x3F9C];
	s0 =	simm.s32 @p1 $0x1  }
0x15: {  	[smem:$0x3FB9] =	sst s0;
	s0 =	simm.s32 @!p2 $0x0  }
0x16: {  	s3 =	sld [smem:$0x3FDB];
	s0 =	simm.s32 @p2 $0x1  }
0x17: {  	s4 =	simm.s32 $0x1BF5;
	[smem:$0x3FBB] =	sst s0  }
0x18: {  	s0 =	sld [smem:$0x3F9E];
	_ =	swait.ge [sflag:s4], $0x0  }
0x19: {  	s7 =	sld [smem:$0x3F9F]  }
0x1a: {  	s8 =	sadd.s32 $0xFFFFE003, lr  }
0x1b: {  	s9 =	sadd.s32 $0xFFFFFEF7, lr;
	s5 =	simm.s32 $0xFFFFFFFF;
	p2 =	slt.u32 s8, $0xFFFFF086  }
0x1c: {  	p1 =	slt.u32 s9, $0xF7A;
	s5 =	simm.s32 @!p2 $0x0  }
0x1d: {  	s5 =	simm.s32 @p1 $0x1;
	p0 =	seq.s32 s7, s2  }
0x1e: {  	s7 =	smul.u32 @!p0 $0xF7A, s2;
	p2 =	seq.s32 @!p0 s5, $0x0  }
0x1f: {  	s9 =	smul.u32 $0xF7A, s1;
	s8 =	simm.s32 @!p0 $0x1BF5;
	p2 =	por !p2, p0  }
0x20: {  	[sflag:s8] =	ssyncset.s32 @!p0 $0xFFFFF086;
	s6 =	sadd.s32 @!p0 s3, s7;
	s7 =	simm.s32 @!p0 $0x108  }
0x21: {  	s3 =	sadd.s32 s3, s9;
	s6 =	sadd.s32 @!p0 $0x88, s6;
	s7 =	simm.s32 @p2 $0x1082  }
0x22: {  	[simem:s7], [sflag:s8] =	dma.local @!p0 [hbm:s6], $0xF7A  }
0x23: {  	s9 =	sor.u32 $0xD0000000, s2;
	s6 =	simm.s32 $0x108;
	_ =	swait.ge @!p0 [sflag:s8], $0x0  }
0x24: {  	s3 =	sadd.s32 $0x88, s3;
	s6 =	simm.s32 @!p1 $0x1082;
	[sflag:s4] =	ssyncset.s32 $0xFFFFF086  }
0x25: {  	[simem:s6], [sflag:s4] =	dma.local [hbm:s3], $0xF7A  }
0x26: {  	[smem:$0x3F9F] =	sst s1;
	(tag) =	ssettag s2;
	_ =	strace s9  }
0x27: {  	s1 =	sld [smem:$0x3FAF]  }
0x28: {  	s2 =	sld [smem:$0x3FB0]  }
0x29: {  	s4 =	sld [smem:$0x3FB2]  }
0x2a: {  	p0 =	seq.s32 s5, $0x0;
	s5 =	sld [smem:$0x3FB3]  }
0x2b: {  	s6 =	sld [smem:$0x3FB4]  }
0x2c: {  	s7 =	sld [smem:$0x3FB5]  }
0x2d: {  	s3 =	simm.s32 $0x108;
	s8 =	sld [smem:$0x3FB6]  }
0x2e: {  	s3 =	simm.s32 @!p0 $0x1082;
	s9 =	sld [smem:$0x3FB7]  }
0x2f: {  	lr =	sadd.s32 s0, s3;
	s0 =	sld [smem:$0x3FAE]  }
0x30: {  	s3 =	sld [smem:$0x3FB1]  }
0x31: {  	[smem:$0x3FBA] =	sst s10  }
0x32: {  	s10 =	sld [smem:$0x3FB8];
	_ =	sdelay $0x3  }
0x33: {  	p0 =	seq.s32 s10, $0x1;
	s10 =	sld [smem:$0x3FBA];
	_ =	sdelay $0x3  }
0x34: {  	[smem:$0x3FBA] =	sst s10  }
0x35: {  	s10 =	sld [smem:$0x3FB9];
	_ =	sdelay $0x3  }
0x36: {  	p1 =	seq.s32 s10, $0x1;
	s10 =	sld [smem:$0x3FBA];
	_ =	sdelay $0x3  }
0x37: {  	[smem:$0x3FBA] =	sst s10  }
0x38: {  	s10 =	sld [smem:$0x3FBB]  }
0x39: {  	_ = 	snop;
	(pc) =	sbr.ind lr, $3  }
0x3a: {  	_ = 	snop  }
0x3b: {  	_ = 	snop  }
0x3c: {  	p2 =	seq.s32 s10, $0x1;
	s10 =	sld [smem:$0x3FBA]  }
0x3d: {  	_ =	shalt  }
0x3e: {  	_ =	shalt  }
0x3f: {  	_ =	shalt  }
0x40: {  	_ =	shalt  }
0x41: {  	_ =	shalt  }
0x42: {  	_ =	shalt  }
0x43: {  	_ =	shalt  }
0x44: {  	_ =	shalt  }
0x45: {  	_ =	shalt  }
0x46: {  	_ =	shalt  }
0x47: {  	_ =	shalt  }
0x48: {  	_ =	shalt  }
0x49: {  	_ =	shalt  }
0x4a: {  	_ =	shalt  }
0x4b: {  	_ =	shalt  }
0x4c: {  	_ =	shalt  }
0x4d: {  	_ =	shalt  }
0x4e: {  	_ =	shalt  }
0x4f: {  	_ =	shalt  }
0x50: {  	_ =	shalt  }
0x51: {  	_ =	shalt  }
0x52: {  	_ =	shalt  }
0x53: {  	_ =	shalt  }
0x54: {  	_ =	shalt  }
0x55: {  	_ =	shalt  }
0x56: {  	_ =	shalt  }
0x57: {  	_ =	shalt  }
0x58: {  	_ =	shalt  }
0x59: {  	_ =	shalt  }
0x5a: {  	_ =	shalt  }
0x5b: {  	_ =	shalt  }
0x5c: {  	_ =	shalt  }
0x5d: {  	_ =	shalt  }
0x5e: {  	_ =	shalt  }
0x5f: {  	_ =	shalt  }
0x60: {  	_ =	shalt  }
0x61: {  	_ =	shalt  }
0x62: {  	_ =	shalt  }
0x63: {  	_ =	shalt  }
0x64: {  	_ =	shalt  }
0x65: {  	_ =	shalt  }
0x66: {  	_ =	shalt  }
0x67: {  	_ =	shalt  }
0x68: {  	_ =	shalt  }
0x69: {  	_ =	shalt  }
0x6a: {  	_ =	shalt  }
0x6b: {  	_ =	shalt  }
0x6c: {  	_ =	shalt  }
0x6d: {  	_ =	shalt  }
0x6e: {  	_ =	shalt  }
0x6f: {  	_ =	shalt  }
0x70: {  	_ =	shalt  }
0x71: {  	_ =	shalt  }
0x72: {  	_ =	shalt  }
0x73: {  	_ =	shalt  }
0x74: {  	_ =	shalt  }
0x75: {  	_ =	shalt  }
0x76: {  	_ =	shalt  }
0x77: {  	_ =	shalt  }
0x78: {  	_ =	shalt  }
0x79: {  	_ =	shalt  }
0x7a: {  	_ =	shalt  }
0x7b: {  	_ =	shalt  }
0x7c: {  	_ =	shalt  }
0x7d: {  	_ =	shalt  }
0x7e: {  	_ =	shalt  }
0x7f: {  	_ =	shalt  }
0x80: {  	_ =	shalt  }
0x81: {  	_ =	shalt  }
0x82: {  	_ =	shalt  }
0x83: {  	_ =	shalt  }
0x84: {  	_ =	shalt  }
0x85: {  	_ =	shalt  }
0x86: {  	_ =	shalt  }
0x87: {  	_ =	shalt  }
.Lfunc_end0:
.L_simem_size_0:
called_computation.1_lowered:
.L_overlay_start_0:
0x88: {  	s2 =	sld [smem:$0x3FD9]  }
0x89: {  	s3 =	sld [smem:$0x3FFE];
	_ =	sdelay $0x1  }
0x8a: {  	s1 =	srdreg.scid  }
0x8b: {  	s0 =	sand.u32 $0x1, s1  }
0x8c: {  	s17 =	sshll.u32 s0, $0xA;
	s2 =	sadd.s32 s3, s2  }
0x8d: {  	s2 =	sadd.s32 s2, s17  }
0x8e: {  	[smem:$0x3FC6] =	sst s2  }
0x8f: {  	_ = 	snop  }
0x90: {  	s2 =	sld [smem:$0x3FD0];
	(tm) =	ssettm $0x1  }
0x91: {  	s18 =	sld [smem:$0x3FFB];
	_ =	sdelay $0x3  }
0x92: {  	_ =	strace s18  }
0x93: {  	s3 =	sld [smem:$0x3FFC];
	_ =	sdelay $0x3  }
0x94: {  	_ =	strace s3  }
0x95: {  	s3 =	sld [smem:$0x3FFD];
	_ =	sdelay $0x3  }
0x96: {  	_ =	strace s3  }
0x97: {  	_ =	strace $0x8FFFFFFF  }
0x98: {  	s19 =	sld [smem:$0x3FDB];
	_ =	sdelay $0x1  }
0x99: {  	s4 =	simm.s32 $_scs_section_size  }
0x9a: {  	s5 =	simm.s32 $_size__tile_overlayer_lowered;
	s6 =	simm.s32 $_tile_overlayer_lowered  }
0x9b: {  	s22 =	simm.s32 $0x1BFF;
	s21 =	sshll.u32 s6, $0x1;
	s3 =	sadd.s32 s4, s19  }
0x9c: {  	s7 =	simm.s32 $0x0;
	s20 =	sshll.u32 s5, $0x1;
	s5 =	sadd.s32 s21, s3  }
0x9d: {  	[timem:s7], [sflag:s22] =	dma.local [hbm:s5], s20  }
0x9e: {  	_ =	swait.ge [sflag:s22], s20  }
0x9f: {  	s4 =	ssub.s32 $0x0, s20;
	[sflag:s22] =	ssyncset.done $0x0  }
0xa0: {  	[sflag:s22] =	ssyncadd.s32 s4;
	_ =	sdelay $0x1  }
0xa1: {  	s23 =	simm.s32 $0x1B8B  }
0xa2: {  	_ =	swait.ge [sflag:s23], $0x1  }
0xa3: {  	[sflag:s23] =	ssyncset.done $0x0  }
0xa4: {  	s25 =	simm.s32 $0x1B8E;
	s24 =	sld [smem:$0x3FFE];
	[sflag:s23] =	ssyncadd.s32 $0xFFFFFFFF  }
0xa5: {  	s26 =	simm.s32 $execute0_lowered;
	[smem:$0x3FD2] =	sst s25  }
0xa6: {  	s5 =	sshll.u32 s26, $0x1;
	_ =	strace $0x80000046;
	[dreg:$0x1] =	wrdreg $0xFFFFFFFF  }
0xa7: {  	s28 =	simm.s32 $_size_execute0_lowered;
	s3 =	sadd.s32 s3, s5;
	[dreg:$0x0] =	wrdreg $0x0  }
0xa8: {  	s5 =	sshll.u32 s28, $0x1;
	[dreg:$0x2] =	wrdreg s3  }
0xa9: {  	[dreg:$0x3] =	wrdreg s5  }
0xaa: {  	[dreg:$0x4] =	wrdreg $0xC0  }
0xab: {  	_ =	task [dreg:s7], $0x5FFFF  }
0xac: {  	[dreg:$0x1] =	wrdreg $0xFFFFFFFF  }
0xad: {  	[dreg:$0x0] =	wrdreg $0x60  }
0xae: {  	[dreg:$0x2] =	wrdreg s24  }
0xaf: {  	[dreg:$0x3] =	wrdreg s2  }
0xb0: {  	[dreg:$0x4] =	wrdreg $0x9  }
0xb1: {  	_ =	task.clear_ibuf [dreg:s7], $0x5FFFF;
	_ =	strace $0x90000046  }
0xb2: {  	s29 =	simm.s32 $0x9;
	_ =	strace $0x80000048  }
0xb3: {  	_ =	swait.ge [sflag:s29], $0x1  }
0xb4: {  	[sflag:s29] =	ssyncadd.s32 $0xFFFFFFFF  }
0xb5: {  	_ =	strace $0x90000048  }
0xb6: {  	_ =	sfence  }
0xb7: {  	s30 =	sld [smem:$0x0];
	_ =	sdelay $0x2  }
0xb8: {  	s31 =	sshll.u32 s1, $0xD;
	s1 =	sshrl.u32 s1, $0x2  }
0xb9: {  	s3 =	sand.u32 $0x4000, s31;
	s1 =	sadd.s32 s1, s30  }
0xba: {  	s0 =	sor.u32 s3, s0;
	s1 =	sshll.u32 s1, $0x11  }
0xbb: {  	s0 =	sor.u32 s1, s0  }
0xbc: {  	s0 =	sadd.s32 $0x8F2B, s0  }
0xbd: {  	[sflag:s0] =	ssyncadd.remote.s32 $0x1  }
0xbe: {  	_ =	sfence.sel $0xFFFF  }
0xbf: {  	[dreg:$0x0] =	wrdreg $0xFFFFFFFF;
	(pc) =	sbr.abs _section_cstart, $3  }
0xc0: {  	[dreg:$0x1] =	wrdreg $0xFFFFFFFF  }
0xc1: {  	_ =	task.clear_ibuf [dreg:s7], $0x2FFFF;
	_ =	strace $0x9FFFFFFF  }
0xc2: {  	(tm) =	ssettm $0x7FFFFFFF  }
0xc3: {  	_ =	shalt  }
tec
execute0_lowered:
.L_overlay_start_1:
0x0: {  	(tag) =	ssettag $0x1  }
0x1: {  	s0 =	rddreg [dreg:$0x0]  }
0x2: {  	s1 =	srdreg.scid;
	s8 =	stileid.u32  }
0x3: {  	s9 =	rddreg [dreg:$0x1];
	s2 =	simm.s32 $0x0;
	s11 =	simm.s32 $0x80  }
0x4: {  	s12 =	simm.s32 $0x2800;
	s13 =	simm.s32 $0x4800;
	s15 =	simm.s32 $0x6800  }
0x5: {  	s17 =	simm.s32 $0x8800;
	s19 =	simm.s32 $0xA800;
	s20 =	simm.s32 $0x280  }
0x6: {  	s21 =	simm.s32 $0xC800;
	s22 =	simm.s32 $0x300;
	s23 =	simm.s32 $0xE800  }
0x7: {  	s28 =	simm.s32 $0x3;
	s29 =	simm.s32 $0x2;
	s7 =	smul.u32 $0x28000, s8  }
0x8: {  	s1 =	sand.u32 $0x1, s1;
	s3 =	sshll.u32 s8, $0x1;
	s8 =	smul.u32 $0x140000, s8  }
0x9: {  	s30 =	simm.s32 $0x4;
	[smem:$0x7FF] =	sst s2;
	s25 =	smul.u32 $0xA0000, s1  }
0xa: {  	s3 =	sor.u32 s1, s3;
	s6 =	ssub.s32 $0x2, s1;
	s1 =	smul.u32 $0x14000, s1  }
0xb: {  	s31 =	simm.s32 $0x0;
	_ =	strace $0x80000047;
	s4 =	smul.u32 $0x500, s3  }
0xc: {  	s5 =	smul.u32 $0xA0000, s3;
	s3 =	sadd.s32 $0xF43000, s0;
	s7 =	sadd.s32 s7, s9  }
0xd: {  	s24 =	sshrl.u32 s6, $0x1;
	s8 =	sadd.s32 s25, s8;
	s1 =	sadd.s32 s1, s7  }
0xe: {  	s25 =	simm.s32 $0x10800;
	s4 =	sadd.s32 s4, s0;
	s0 =	ssub.s32 s6, s24  }
0xf: {  	s5 =	sshrl.u32 s5, $0x3;
	s26 =	sshrl.u32 s8, $0x3;
	s8 =	sadd.s32 $0x1000, s1  }
0x10: {  	s24 =	simm.s32 $0x380;
	s4 =	sadd.s32 $0xA00, s4;
	s10 =	sadd.s32 s9, s5  }
0x11: {  	s7 =	smax.u32 s0, $0x1;
	s9 =	sadd.s32 s26, s9;
	s26 =	simm.s32 $0x1  }
0x12: {  	s5 =	sadd.s32 $0x12000, s10;
	s6 =	sadd.s32 $0x13000, s10;
	s10 =	simm.s32 $0x5  }
.LBB2_1:
0x13: {  	[tilespmem:s2], [sflag:$0x5] =	stream.linear.gather [hbm4b:s4+s2], $0x2800, $0x38;
	[tilespmem:$0x12800] =	vst v63  }
0x14: {  	_ =	swait.ge [sflag:s10], $0x2800  }
0x15: {  	[sflag:s10] =	ssyncset.done $0x0  }
0x16: {  	[sflag:s10] =	ssyncadd.s32 $0xFFFFD800  }
0x17: {  	[tilespmem:s12], [sflag:$0x1] =	stream.indirect.gather [hbm4b:s3+s11], $0x40, s2, s11, $0xb8;
	[tilespmem:$0x12800] =	vst v63  }
0x18: {  	_ = 	snop  }
0x19: {  	[tilespmem:s13], [sflag:$0x1] =	stream.indirect.gather [hbm4b:s3+s11], $0x40, s11, s11, $0xb8;
	[tilespmem:$0x12800] =	vst v63  }
0x1a: {  	s0 =	simm.s32 $0x100  }
0x1b: {  	[tilespmem:s15], [sflag:$0x1] =	stream.indirect.gather [hbm4b:s3+s11], $0x40, s0, s11, $0xb8;
	[tilespmem:$0x12800] =	vst v63  }
0x1c: {  	s18 =	simm.s32 $0x180  }
0x1d: {  	[tilespmem:s17], [sflag:$0x1] =	stream.indirect.gather [hbm4b:s3+s11], $0x40, s18, s11, $0xb8;
	[tilespmem:$0x12800] =	vst v63  }
0x1e: {  	s1 =	simm.s32 $0x200  }
0x1f: {  	[tilespmem:s19], [sflag:$0x2] =	stream.indirect.gather [hbm4b:s3+s11], $0x40, s1, s11, $0xb8;
	[tilespmem:$0x12800] =	vst v63  }
0x20: {  	_ = 	snop  }
0x21: {  	[tilespmem:s21], [sflag:$0x2] =	stream.indirect.gather [hbm4b:s3+s11], $0x40, s20, s11, $0xb8;
	[tilespmem:$0x12800] =	vst v63  }
0x22: {  	_ = 	snop  }
0x23: {  	[tilespmem:s23], [sflag:$0x2] =	stream.indirect.gather [hbm4b:s3+s11], $0x40, s22, s11, $0xb8;
	[tilespmem:$0x12800] =	vst v63  }
0x24: {  	_ = 	snop  }
0x25: {  	[tilespmem:s25], [sflag:$0x2] =	stream.indirect.gather [hbm4b:s3+s11], $0x40, s24, s11, $0xb8;
	[tilespmem:$0x12800] =	vst v63  }
0x26: {  	_ =	swait.ge [sflag:s26], $0x8000  }
0x27: {  	[sflag:s26] =	ssyncset.done $0x0  }
0x28: {  	[sflag:s26] =	ssyncadd.s32 $0xFFFF8000  }
0x29: {  	[hbm4b:s9+s2] =	stream.linear.scatter [tilespmem:s12], [sflag:$0x3], $0x8000, $0x38;
	[tilespmem:$0x12800] =	vst v63  }
0x2a: {  	_ =	swait.ge [sflag:s28], $0x8000  }
0x2b: {  	[sflag:s28] =	ssyncset.done $0x0  }
0x2c: {  	s14 =	simm.s32 $0x400;
	[sflag:s28] =	ssyncadd.s32 $0xFFFF8000  }
0x2d: {  	[tilespmem:s12], [sflag:$0x1] =	stream.indirect.gather [hbm4b:s3+s11], $0x40, s14, s11, $0xb8;
	[tilespmem:$0x12800] =	vst v63  }
0x2e: {  	s16 =	simm.s32 $0x480  }
0x2f: {  	[tilespmem:s13], [sflag:$0x1] =	stream.indirect.gather [hbm4b:s3+s11], $0x40, s16, s11, $0xb8;
	[tilespmem:$0x12800] =	vst v63  }
0x30: {  	s18 =	simm.s32 $0x500  }
0x31: {  	[tilespmem:s15], [sflag:$0x1] =	stream.indirect.gather [hbm4b:s3+s11], $0x40, s18, s11, $0xb8;
	[tilespmem:$0x12800] =	vst v63  }
0x32: {  	s1 =	simm.s32 $0x580  }
0x33: {  	[tilespmem:s17], [sflag:$0x1] =	stream.indirect.gather [hbm4b:s3+s11], $0x40, s1, s11, $0xb8;
	[tilespmem:$0x12800] =	vst v63  }
0x34: {  	_ =	swait.ge [sflag:s29], $0x8000  }
0x35: {  	[sflag:s29] =	ssyncset.done $0x0  }
0x36: {  	[sflag:s29] =	ssyncadd.s32 $0xFFFF8000  }
0x37: {  	[hbm4b:s8+s2] =	stream.linear.scatter [tilespmem:s19], [sflag:$0x4], $0x8000, $0x38;
	[tilespmem:$0x12800] =	vst v63  }
0x38: {  	_ =	swait.ge [sflag:s30], $0x8000  }
0x39: {  	[sflag:s30] =	ssyncset.done $0x0  }
0x3a: {  	s14 =	simm.s32 $0x600;
	[sflag:s30] =	ssyncadd.s32 $0xFFFF8000  }
0x3b: {  	[tilespmem:s19], [sflag:$0x2] =	stream.indirect.gather [hbm4b:s3+s11], $0x40, s14, s11, $0xb8;
	[tilespmem:$0x12800] =	vst v63  }
0x3c: {  	s0 =	sadd.s32 $0x2000, s8;
	s16 =	simm.s32 $0x680;
	s18 =	simm.s32 $0x700  }
0x3d: {  	[tilespmem:s21], [sflag:$0x2] =	stream.indirect.gather [hbm4b:s3+s11], $0x40, s16, s11, $0xb8;
	[tilespmem:$0x12800] =	vst v63  }
0x3e: {  	s1 =	simm.s32 $0x1000;
	s14 =	sadd.s32 $0x2000, s9;
	s16 =	simm.s32 $0x780  }
0x3f: {  	[tilespmem:s23], [sflag:$0x2] =	stream.indirect.gather [hbm4b:s3+s11], $0x40, s18, s11, $0xb8;
	[tilespmem:$0x12800] =	vst v63  }
.LBB2_2:
0x40: {  	[tilespmem:s25], [sflag:$0x2] =	stream.indirect.gather [hbm4b:s3+s11], $0x40, s16, s11, $0xb8;
	[tilespmem:$0x12800] =	vst v63  }
0x41: {  	s16 =	smov.u32 s1  }
0x42: {  	p0 =	sne.s32 s1, $0x8000;
	s1 =	sadd.s32 $0x1000, s1;
	_ =	swait.ge [sflag:s26], $0x8000  }
0x43: {  	[sflag:s26] =	ssyncset.done $0x0  }
0x44: {  	[sflag:s26] =	ssyncadd.s32 $0xFFFF8000  }
0x45: {  	[hbm4b:s14+s2] =	stream.linear.scatter [tilespmem:s12], [sflag:$0x3], $0x8000, $0x38;
	[tilespmem:$0x12800] =	vst v63  }
0x46: {  	_ =	swait.ge [sflag:s28], $0x8000  }
0x47: {  	s16 =	sshra.s32 s16, $0x2;
	[sflag:s28] =	ssyncset.done $0x0  }
0x48: {  	s18 =	sadd.s32 $0x400, s16;
	[sflag:s28] =	ssyncadd.s32 $0xFFFF8000  }
0x49: {  	[tilespmem:s12], [sflag:$0x1] =	stream.indirect.gather [hbm4b:s3+s11], $0x40, s18, s11, $0xb8;
	[tilespmem:$0x12800] =	vst v63  }
0x4a: {  	s18 =	sadd.s32 $0x480, s16  }
0x4b: {  	[tilespmem:s13], [sflag:$0x1] =	stream.indirect.gather [hbm4b:s3+s11], $0x40, s18, s11, $0xb8;
	[tilespmem:$0x12800] =	vst v63  }
0x4c: {  	s18 =	sadd.s32 $0x500, s16  }
0x4d: {  	[tilespmem:s15], [sflag:$0x1] =	stream.indirect.gather [hbm4b:s3+s11], $0x40, s18, s11, $0xb8;
	[tilespmem:$0x12800] =	vst v63  }
0x4e: {  	s18 =	sadd.s32 $0x580, s16  }
0x4f: {  	[tilespmem:s17], [sflag:$0x1] =	stream.indirect.gather [hbm4b:s3+s11], $0x40, s18, s11, $0xb8;
	[tilespmem:$0x12800] =	vst v63  }
0x50: {  	_ =	swait.ge [sflag:s29], $0x8000  }
0x51: {  	[sflag:s29] =	ssyncset.done $0x0  }
0x52: {  	[sflag:s29] =	ssyncadd.s32 $0xFFFF8000  }
0x53: {  	[hbm4b:s0+s2] =	stream.linear.scatter [tilespmem:s19], [sflag:$0x4], $0x8000, $0x38;
	[tilespmem:$0x12800] =	vst v63  }
0x54: {  	_ =	swait.ge [sflag:s30], $0x8000  }
0x55: {  	[sflag:s30] =	ssyncset.done $0x0  }
0x56: {  	s18 =	sadd.s32 $0x600, s16;
	[sflag:s30] =	ssyncadd.s32 $0xFFFF8000  }
0x57: {  	[tilespmem:s19], [sflag:$0x2] =	stream.indirect.gather [hbm4b:s3+s11], $0x40, s18, s11, $0xb8;
	[tilespmem:$0x12800] =	vst v63  }
.Ltmp0:
0x58: {  	s18 =	sadd.s32 $0x680, s16;
	(pc) =	sbr.rel @p0 .LBB2_2-.Ltmp0, $4  }
0x59: {  	[tilespmem:s21], [sflag:$0x2] =	stream.indirect.gather [hbm4b:s3+s11], $0x40, s18, s11, $0xb8;
	[tilespmem:$0x12800] =	vst v63  }
0x5a: {  	s18 =	sadd.s32 $0x700, s16  }
0x5b: {  	[tilespmem:s23], [sflag:$0x2] =	stream.indirect.gather [hbm4b:s3+s11], $0x40, s18, s11, $0xb8;
	[tilespmem:$0x12800] =	vst v63  }
0x5c: {  	s14 =	sadd.s32 $0x2000, s14;
	s0 =	sadd.s32 $0x2000, s0;
	s16 =	sadd.s32 $0x780, s16  }
0x5d: {  	[tilespmem:s25], [sflag:$0x2] =	stream.indirect.gather [hbm4b:s3+s11], $0x40, s16, s11, $0xb8;
	[tilespmem:$0x12800] =	vst v63  }
0x5e: {  	_ =	swait.ge [sflag:s26], $0x8000  }
0x5f: {  	[sflag:s26] =	ssyncset.done $0x0  }
0x60: {  	[sflag:s26] =	ssyncadd.s32 $0xFFFF8000  }
0x61: {  	[hbm4b:s5+s2] =	stream.linear.scatter [tilespmem:s12], [sflag:$0x3], $0x8000, $0x38;
	[tilespmem:$0x12800] =	vst v63  }
0x62: {  	_ =	swait.ge [sflag:s28], $0x8000  }
0x63: {  	[sflag:s28] =	ssyncset.done $0x0  }
0x64: {  	[sflag:s28] =	ssyncadd.s32 $0xFFFF8000  }
0x65: {  	s31 =	sadd.s32 $0x1, s31;
	_ =	swait.ge [sflag:s29], $0x8000  }
0x66: {  	p0 =	sne.s32 s31, s7;
	[sflag:s29] =	ssyncset.done $0x0  }
.Ltmp1:
0x67: {  	[sflag:s29] =	ssyncadd.s32 $0xFFFF8000;
	(pc) =	sbr.rel @p0 .LBB2_1-.Ltmp1, $4  }
0x68: {  	[hbm4b:s6+s2] =	stream.linear.scatter [tilespmem:s19], [sflag:$0x4], $0x8000, $0x38;
	[tilespmem:$0x12800] =	vst v63  }
0x69: {  	_ =	swait.ge [sflag:s30], $0x8000  }
0x6a: {  	[sflag:s30] =	ssyncset.done $0x0  }
0x6b: {  	[sflag:s30] =	ssyncadd.s32 $0xFFFF8000  }
0x6c: {  	_ =	sfence.sel $0x180000  }
0x6d: {  	[bflag:$0x0] =	sbarrier.arrive $0xFFFF  }
0x6e: {  	_ =	strace $0x90000047  }
0x6f: {  	s0 =	stileid.u32;
	[bflag:$0x2] =	sbarrier.arrive $0xFFFF  }
0x70: {  	p0 =	sne.s32 s0, $0x0;
	s0 =	rddreg [dreg:$0x2]  }
0x71: {  	s0 =	sadd.s32 @!p0 $0x100000, s0  }
0x72: {  	[sflag:s0] =	ssyncadd.tile.s32 @!p0 $0x1;
	_ =	shalt  }
.Lfunc_end2:
_tile_overlayer_lowered:
.L_overlay_start_2:
0x73: {  	(tag) =	ssettag $0x2  }
0x74: {  	s0 =	rddreg [dreg:$0x0];
	s2 =	stileid.u32  }
0x75: {  	s1 =	rddreg [dreg:$0x1];
	p0 =	sne.s32 s2, $0x0  }
0x76: {  	s3 =	rddreg [dreg:$0x2];
	[bflag:$0x3] =	sbarrier.arrive $0xFFFF;
	s2 =	simm.s32 @!p0 $0x1C05  }
0x77: {  	[timem:s3], [sflag:s2] =	dma.local @!p0 [hbm:s0], s1  }
0x78: {  	s0 =	simm.s32 @!p0 $0x5  }
0x79: {  	_ =	swait.ge @!p0 [sflag:s0], s1  }
0x7a: {  	s1 =	ssub.s32 @!p0 $0x0, s1;
	[sflag:s0] =	ssyncset.done @!p0 $0x0  }
0x7b: {  	[sflag:s0] =	ssyncadd.s32 @!p0 s1  }
0x7c: {  	[bflag:$0x3] =	sbarrier.arrive $0xFFFF  }
0x7d: {  	_ =	shalt  }

// kernel: sparse-core-data-format-call.cloned.1.call-start
scs
called_computation_lowered:
.L_overlay_start_0:
0x0: {  	s2 =	sld [smem:$0x3FD9]  }
0x1: {  	s3 =	sld [smem:$0x3FFE];
	_ =	sdelay $0x1  }
0x2: {  	s1 =	srdreg.scid  }
0x3: {  	s0 =	sand.u32 $0x1, s1  }
0x4: {  	s18 =	sshll.u32 s0, $0xA;
	s2 =	sadd.s32 s3, s2  }
0x5: {  	s2 =	sadd.s32 s2, s18  }
0x6: {  	[smem:$0x3FC6] =	sst s2  }
0x7: {  	_ = 	snop  }
0x8: {  	s2 =	sld [smem:$0x3FD0];
	(tm) =	ssettm $0x1  }
0x9: {  	s19 =	sld [smem:$0x3FFB];
	_ =	sdelay $0x3  }
0xa: {  	_ =	strace s19  }
0xb: {  	s3 =	sld [smem:$0x3FFC];
	_ =	sdelay $0x3  }
0xc: {  	_ =	strace s3  }
0xd: {  	s3 =	sld [smem:$0x3FFD];
	_ =	sdelay $0x3  }
0xe: {  	_ =	strace s3  }
0xf: {  	_ =	strace $0x8FFFFFFF  }
0x10: {  	s20 =	sld [smem:$0x3FDB];
	_ =	sdelay $0x1  }
0x11: {  	s4 =	simm.s32 $_scs_section_size  }
0x12: {  	s5 =	simm.s32 $_size__tile_overlayer_lowered;
	s6 =	simm.s32 $_tile_overlayer_lowered  }
0x13: {  	s23 =	simm.s32 $0x1BFF;
	s22 =	sshll.u32 s6, $0x1;
	s3 =	sadd.s32 s4, s20  }
0x14: {  	s7 =	simm.s32 $0x0;
	s21 =	sshll.u32 s5, $0x1;
	s5 =	sadd.s32 s22, s3  }
0x15: {  	[timem:s7], [sflag:s23] =	dma.local [hbm:s5], s21  }
0x16: {  	_ =	swait.ge [sflag:s23], s21  }
0x17: {  	s4 =	ssub.s32 $0x0, s21;
	[sflag:s23] =	ssyncset.done $0x0  }
0x18: {  	[sflag:s23] =	ssyncadd.s32 s4;
	_ =	sdelay $0x1  }
0x19: {  	s24 =	simm.s32 $0x1B8B  }
0x1a: {  	_ =	swait.ge [sflag:s24], $0x1  }
0x1b: {  	[sflag:s24] =	ssyncset.done $0x0  }
0x1c: {  	s26 =	simm.s32 $0x1B8E;
	s25 =	sld [smem:$0x3FFE];
	[sflag:s24] =	ssyncadd.s32 $0xFFFFFFFF  }
0x1d: {  	s27 =	simm.s32 $execute0_lowered;
	[smem:$0x3FD2] =	sst s26  }
0x1e: {  	s5 =	sshll.u32 s27, $0x1;
	_ =	strace $0x80000049;
	[dreg:$0x1] =	wrdreg $0xFFFFFFFF  }
0x1f: {  	s28 =	simm.s32 $_size_execute0_lowered;
	s3 =	sadd.s32 s3, s5;
	[dreg:$0x0] =	wrdreg $0x0  }
0x20: {  	s5 =	sshll.u32 s28, $0x1;
	[dreg:$0x2] =	wrdreg s3  }
0x21: {  	[dreg:$0x3] =	wrdreg s5  }
0x22: {  	[dreg:$0x4] =	wrdreg $0xC0  }
0x23: {  	_ =	task [dreg:s7], $0x5FFFF  }
0x24: {  	[dreg:$0x1] =	wrdreg $0xFFFFFFFF  }
0x25: {  	[dreg:$0x0] =	wrdreg $0x60  }
0x26: {  	[dreg:$0x2] =	wrdreg s25  }
0x27: {  	[dreg:$0x3] =	wrdreg s2  }
0x28: {  	[dreg:$0x4] =	wrdreg $0x9  }
0x29: {  	_ =	task.clear_ibuf [dreg:s7], $0x5FFFF;
	_ =	strace $0x90000049  }
0x2a: {  	s29 =	simm.s32 $0x9;
	_ =	strace $0x8000004B  }
0x2b: {  	_ =	swait.ge [sflag:s29], $0x1  }
0x2c: {  	[sflag:s29] =	ssyncadd.s32 $0xFFFFFFFF  }
0x2d: {  	_ =	strace $0x9000004B  }
0x2e: {  	_ =	sfence  }
0x2f: {  	s30 =	sld [smem:$0x0];
	_ =	sdelay $0x2  }
0x30: {  	s31 =	sshll.u32 s1, $0xD;
	s1 =	sshrl.u32 s1, $0x2  }
0x31: {  	s3 =	sand.u32 $0x4000, s31;
	s1 =	sadd.s32 s1, s30  }
0x32: {  	s0 =	sor.u32 s3, s0;
	s1 =	sshll.u32 s1, $0x11  }
0x33: {  	s0 =	sor.u32 s1, s0  }
0x34: {  	s0 =	sadd.s32 $0x8F2B, s0  }
0x35: {  	[sflag:s0] =	ssyncadd.remote.s32 $0x1  }
0x36: {  	_ =	sfence.sel $0xFFFF  }
0x37: {  	[dreg:$0x0] =	wrdreg $0xFFFFFFFF;
	(pc) =	sbr.abs _section_cstart, $3  }
0x38: {  	[dreg:$0x1] =	wrdreg $0xFFFFFFFF  }
0x39: {  	_ =	task.clear_ibuf [dreg:s7], $0x2FFFF;
	_ =	strace $0x9FFFFFFF  }
0x3a: {  	(tm) =	ssettm $0x7FFFFFFF  }
0x3b: {  	_ =	shalt  }
tec
execute0_lowered:
.L_overlay_start_1:
0x0: {  	(tag) =	ssettag $0x1  }
0x1: {  	s0 =	srdreg.scid  }
0x2: {  	s1 =	sshll.u32 s0, $0x4  }
0x3: {  	s0 =	stileid.u32;
	s1 =	sand.u32 $0x10, s1  }
0x4: {  	s1 =	sor.u32 s0, s1  }
0x5: {  	s6 =	rddreg [dreg:$0x0];
	s4 =	simm.s32 $0x1;
	s2 =	sshll.u32 s1, $0x7  }
0x6: {  	s7 =	simm.s32 $0x2;
	s12 =	simm.s32 $0x0;
	s1 =	ssub.s32 $0x4000, s2  }
0x7: {  	s8 =	simm.s32 $0x20000;
	s13 =	simm.s32 $0x0;
	s3 =	sand.u32 $0xF80, s1  }
0x8: {  	s9 =	simm.s32 $0x0;
	s5 =	sshrl.u32 s1, $0xC;
	p0 =	sne.s32 s3, $0x0  }
.Ltmp0:
0x9: {  	s1 =	rddreg [dreg:$0x2];
	s4 =	simm.s32 @!p0 $0x0;
	(pc) =	sbr.rel .LBB1_1-.Ltmp0, $4  }
0xa: {  	s11 =	simm.s32 $0x0;
	s3 =	rddreg [dreg:$0x1];
	s5 =	sadd.s32 s4, s5  }
0xb: {  	_ =	strace $0x8000004A;
	s4 =	simm.s32 $0x1;
	s5 =	smul.u32 $0x14, s5  }
0xc: {  	s6 =	sadd.s32 $0xA00, s6;
	s10 =	smov.u32 s2;
	[sflag:s4] =	ssyncpa.u1 $0x0  }
0xd: {  	p0 =	por $0x0, $0x0;
	[sflag:s7] =	ssyncpa.u1 $0x0;
	s7 =	sor.u32 $0x1, s5  }
.LBB1_4:
0xe: {  	s16 =	sshll.u32 s13, $0x3;
	s17 =	sand.u32 $0x78, s13  }
0xf: {  	s30 =	sand.u32 $0x1F800, s13;
	s12 =	sshll.u32 s12, $0x11;
	s16 =	sand.u32 $0x3C00, s16  }
0x10: {  	[tilespmem:s15+$0x810 ss:$0x81] =	vst.msk $0xffff, v2;
	s31 =	sand.u32 $0x7, s13;
	s16 =	sor.u32 s17, s16;
	s17 =	sadd.s32 s3, s30  }
0x11: {  	[tilespmem:s15+$0x1020 ss:$0x81] =	vst.msk $0xffff, v0;
	s13 =	sshll.u32 s31, $0x12;
	s12 =	sadd.s32 s12, s17;
	s16 =	sshrl.u32 s16, $0x3  }
0x12: {  	[tilespmem:s15+$0x0 ss:$0x81] =	vst.msk $0xffff, v1;
	s13 =	sor.u32 $0x400, s13;
	s12 =	sadd.s32 s16, s12  }
0x13: {  	[hbm4b:s12+s13] =	stream.strided.scatter [tilespmem:s14], [sflag:$0x2], $0x2000, s8, s13, $0x20;
	[tilespmem:$0x8080] =	vst v63  }
.LBB1_5:
0x14: {  	s14 =	sadd.s32 $0x1, s9  }
0x15: {  	s12 =	sadd.s32 $0x1000, s10;
	s16 =	smov.u32 s10;
	p2 =	sgt.s32 s14, $0x13  }
0x16: {  	s16 =	smov.u32 @p2 s12  }
0x17: {  	s14 =	simm.s32 @p2 $0x0;
	p2 =	sgt.s32 s16, $0x3FFF  }
0x18: {  	s16 =	smov.u32 @p2 s2;
	p2 =	sne.s32 s11, s7  }
.Ltmp1:
0x19: {  	p1 =	slt.u32 s11, $0x2;
	(pc) =	sbr.rel @!p2 .LBB1_6-.Ltmp1, $4  }
0x1a: {  	s15 =	simm.s32 @!p1 $0x2  }
0x1b: {  	s13 =	smov.u32 s10;
	p0 =	por !p0, !p0;
	_ =	swait.ge @!p1 [sflag:s15], $0x2000  }
0x1c: {  	s12 =	smov.u32 s9;
	[sflag:s15] =	ssyncset.done @!p1 $0x0;
	s9 =	smov.u32 s14  }
0x1d: {  	s11 =	sadd.s32 $0x1, s11;
	[sflag:s15] =	ssyncadd.s32 @!p1 $0xFFFFE000;
	s10 =	smov.u32 s16  }
.LBB1_1:
0x1e: {  	p1 =	sge.u32 s11, s5  }
0x1f: {  	s14 =	sand.u32 @!p1 $0x1FFFFFF, s9  }
0x20: {  	s15 =	smulhi.u32 @!p1 $0xAAAAAAB, s14;
	_ =	sdelay $0x1  }
0x21: {  	s15 =	smul.u32 @!p1 $0x18, s15  }
0x22: {  	s16 =	sxor.u32 @!p1 $0xFFFFFFFF, s11;
	s17 =	smul.u32 @!p1 $0x180, s10  }
0x23: {  	s31 =	sadd.s32 $0xFFFFFFFF, s11;
	s16 =	sshll.u32 @!p1 s16, $0xD;
	s14 =	ssub.s32 @!p1 s14, s15  }
0x24: {  	s15 =	sand.u32 @!p1 $0x2000, s16;
	s16 =	sadd.s32 @!p1 s6, s17;
	s14 =	sshll.u32 @!p1 s14, $0x4  }
0x25: {  	s17 =	simm.s32 @!p1 $0xC00;
	s14 =	sadd.s32 @!p1 s14, s16;
	s16 =	simm.s32 @!p1 $0x40  }
0x26: {  	[tilespmem:s15], [sflag:$0x1] =	stream.strided.gather @!p1 [hbm4b:s14+s16], $0x2000, s17, s16, $0x38;
	[tilespmem:$0x8080] =	vst v63  }
0x27: {  	p1 =	sge.u32 s31, s5  }
.Ltmp2:
0x28: {  	_ = 	snop;
	(pc) =	sbr.rel @p1 .LBB1_5-.Ltmp2, $1  }
0x29: {  	_ =	sdelay $0x3  }
0x2a: {  	s14 =	simm.s32 $0x1  }
0x2b: {  	_ =	swait.ge [sflag:s4], $0x2000;
	s14 =	simm.s32 @!p0 $0x0  }
0x2c: {  	[sflag:s4] =	ssyncset.done $0x0;
	s15 =	sshll.u32 s14, $0xD  }
0x2d: {  	[sflag:s4] =	ssyncadd.s32 $0xFFFFE000;
	s18 =	sor.u32 $0x20, s15  }
0x2e: {  	s14 =	smul.u32 $0x8100, s14;
	v3 =	vld [tilespmem:s18+$0x10]  }
0x2f: {  	s30 =	sand.u32 $0x1, s11;
	v2 =	vld [tilespmem:s18+$0xFFFFFFF0]  }
0x30: {  	s15 =	smul.u32 $0x8100, s30;
	s14 =	sshrl.u32 s14, $0x2;
	v0 =	vld [tilespmem:s18+$0x0]  }
0x31: {  	v1 =	vld [tilespmem:s18+$0xFFFFFFE0];
	s16 =	sor.u32 $0x4000, s14  }
0x32: {  	s31 =	sshrl.u32 s15, $0x2;
	s15 =	sadd.s32 $0x0, s16  }
0x33: {  	s17 =	simm.s32 $0x4;
	s18 =	sadd.s32 $0x40, s18;
	s14 =	sor.u32 $0x4000, s31;
	[tilespmem:s15+$0x1830 ss:$0x81] =	vst.msk $0xffff, v3  }
.LBB1_3:
0x34: {  	v3 =	vld [tilespmem:s18+$0x10];
	p1 =	sne.s32 s17, $0x1FC;
	[tilespmem:s15+$0x810 ss:$0x81] =	vst.msk $0xffff, v2;
	s19 =	smov.u32 s17;
	s17 =	sadd.s32 $0x4, s17  }
.Ltmp3:
0x35: {  	v2 =	vld [tilespmem:s18+$0xFFFFFFF0];
	[tilespmem:s15+$0x1020 ss:$0x81] =	vst.msk $0xffff, v0;
	(pc) =	sbr.rel @p1 .LBB1_3-.Ltmp3, $4  }
0x36: {  	v0 =	vld [tilespmem:s18+$0x0];
	[tilespmem:s15+$0x0 ss:$0x81] =	vst.msk $0xffff, v1  }
0x37: {  	s15 =	sshra.s32 s19, $0x2;
	v1 =	vld [tilespmem:s18+$0xFFFFFFE0]  }
0x38: {  	s15 =	sadd.s32 s15, s16  }
0x39: {  	s18 =	sadd.s32 $0x40, s18;
	[tilespmem:s15+$0x1830 ss:$0x81] =	vst.msk $0xffff, v3  }
.Ltmp4:
0x3a: {  	_ = 	snop;
	(pc) =	sbr.rel .LBB1_4-.Ltmp4, $1  }
0x3b: {  	_ =	sdelay $0x3  }
.LBB1_6:
0x3c: {  	_ =	sfence.sel $0x180000  }
0x3d: {  	s2 =	simm.s32 $0x1;
	[bflag:$0x0] =	sbarrier.arrive $0xFFFF  }
0x3e: {  	s31 =	simm.s32 $0x2;
	[sflag:s2] =	ssyncpa.u1 $0x1  }
0x3f: {  	[sflag:s31] =	ssyncpa.u1 $0x1  }
0x40: {  	p0 =	sne.s32 s0, $0x0;
	_ =	strace $0x9000004A  }
0x41: {  	s0 =	sadd.s32 @!p0 $0x100000, s1;
	[bflag:$0x2] =	sbarrier.arrive $0xFFFF  }
0x42: {  	[sflag:s0] =	ssyncadd.tile.s32 @!p0 $0x1;
	_ =	shalt  }
.Lfunc_end1:
_tile_overlayer_lowered:
.L_overlay_start_2:
0x43: {  	(tag) =	ssettag $0x2  }
0x44: {  	s0 =	rddreg [dreg:$0x0];
	s2 =	stileid.u32  }
0x45: {  	s1 =	rddreg [dreg:$0x1];
	p0 =	sne.s32 s2, $0x0  }
0x46: {  	s3 =	rddreg [dreg:$0x2];
	[bflag:$0x3] =	sbarrier.arrive $0xFFFF;
	s2 =	simm.s32 @!p0 $0x1C01  }
0x47: {  	[timem:s3], [sflag:s2] =	dma.local @!p0 [hbm:s0], s1  }
0x48: {  	s0 =	simm.s32 @!p0 $0x1  }
0x49: {  	_ =	swait.ge @!p0 [sflag:s0], s1  }
0x4a: {  	s1 =	ssub.s32 @!p0 $0x0, s1;
	[sflag:s0] =	ssyncset.done @!p0 $0x0  }
0x4b: {  	[sflag:s0] =	ssyncadd.s32 @!p0 s1  }
0x4c: {  	[bflag:$0x3] =	sbarrier.arrive $0xFFFF  }
0x4d: {  	_ =	shalt  }

</sc_bundles>
